<compile_context>
chip_gen: v7x
topology: tpu7x:2x2x1
jax: 0.10.2.dev20260603
libtpu: 0.0.44.dev20260713+nightly
codegen_flags: <defaults>
</compile_context>

<pallas_src>
import functools
import numpy as np
import jax
import jax.numpy as jnp
from jax.experimental import pallas as pl
from jax.experimental.pallas import tpu as pltpu

_ATOMS = (8, 16, 32, 64)
_OFFS = (0, 8, 24, 56)
_KS = (2, 4, 8, 16)
_OUT_CH = 120
_R = 16

_SORT_NETS = {
    1: (),
    2: ((0, 1),),
    4: ((0, 1), (2, 3), (0, 2), (1, 3), (1, 2)),
    8: ((0, 1), (2, 3), (4, 5), (6, 7),
        (0, 2), (1, 3), (4, 6), (5, 7),
        (1, 2), (5, 6),
        (0, 4), (1, 5), (2, 6), (3, 7),
        (2, 4), (3, 5),
        (1, 2), (3, 4), (5, 6)),
}


def _conn_t_mats():
    mats = []
    for a in _ATOMS[:-1]:
        nxt = 2 * a
        m = np.zeros((nxt, a), np.float32)
        for j in range(a):
            for t in range(4):
                m[(2 * j + t) % nxt, j] = 1.0
        mats.append(jnp.asarray(m))
    return mats


def _body(xa_ref, xb_ref, w_ref, b_ref, c0_ref, c1_ref, c2_ref, out_ref,
          xs_ref, *, hw: int, n: int, nv: int, nrows_blk: int, in_ch: int):
    xs_ref[:, :n] = xa_ref[0]
    xs_ref[:, n:] = xb_ref[0]
    acc = jnp.zeros((_OUT_CH, n), jnp.float32)
    for dy in range(3):
        for dx in range(3):
            off = dy * hw + dx
            wk = w_ref[dy * 3 + dx]
            acc = acc + jax.lax.dot_general(
                wk, xs_ref[:, off:off + n], (((1,), (0,)), ((), ())),
                preferred_element_type=jnp.float32)
    acc = acc + b_ref[:]

    conn_refs = (None, c0_ref, c1_ref, c2_ref)
    prev_dm = None
    for li, (na, off, k) in enumerate(zip(_ATOMS, _OFFS, _KS)):
        a = acc[off:off + na, :]
        if prev_dm is not None:
            gp = jax.lax.dot_general(
                conn_refs[li][:], prev_dm, (((1,), (0,)), ((), ())),
                preferred_element_type=jnp.float32)
            a = a * (gp > 0).astype(jnp.float32)
        nb = (na - 1).bit_length()
        bits = jax.lax.bitcast_convert_type(a, jnp.int32) & jnp.int32(0x7FFFFFFF)
        sub = jax.lax.broadcasted_iota(jnp.int32, (na, n), 0)
        keyi = (bits & jnp.int32(-(1 << nb))) | (jnp.int32(na - 1) - sub)
        key_sl = [keyi[8 * j:8 * j + 8, :] for j in range(na // 8)]
        lst = list(key_sl)
        for i, j in _SORT_NETS[len(lst)]:
            hi = jnp.maximum(lst[i], lst[j])
            lo = jnp.minimum(lst[i], lst[j])
            lst[i], lst[j] = hi, lo
        neg = jnp.full((8, n), jnp.int32(-(2**31)))
        m = None
        for t in range(k):
            m = jnp.maximum(lst[0], pltpu.roll(lst[0], 4, 0))
            m = jnp.maximum(m, pltpu.roll(m, 2, 0))
            m = jnp.maximum(m, pltpu.roll(m, 1, 0))
            rem = k - 1 - t
            if rem > 0:
                popped = lst[0] == m
                for i in range(min(len(lst) - 1, rem)):
                    lst[i] = jnp.where(popped, lst[i + 1], lst[i])
                if rem >= len(lst):
                    lst[-1] = jnp.where(popped, neg, lst[-1])
        masked = jnp.concatenate(
            [jnp.where(ks >= m, a[8 * j:8 * j + 8, :], 0.0)
             for j, ks in enumerate(key_sl)], axis=0)
        prev_dm = (masked != 0).astype(jnp.float32)
        out_ref[0, off:off + na, :] = masked


def kernel(x, W, b):
    bsz, in_ch, h, hw = x.shape
    nv = hw - 2
    nrows = h - 2
    nch = pl.cdiv(nrows, _R)
    n = _R * hw
    halo = 2 * hw + 2
    tail = 512
    flat = h * hw
    assert tail >= halo and _R * nch == h
    assert flat % tail == 0 and n % tail == 0
    max_tail_blk = flat // tail - 1

    x3 = x.reshape(bsz, in_ch, flat)
    w9 = jnp.transpose(W, (2, 3, 0, 1)).reshape(9, _OUT_CH, in_ch)
    b2 = b.reshape(_OUT_CH, 1)
    c0, c1, c2 = _conn_t_mats()

    body = functools.partial(_body, hw=hw, n=n, nv=nv, nrows_blk=_R,
                             in_ch=in_ch)

    out = pl.pallas_call(
        body,
        grid=(bsz, nch),
        in_specs=[
            pl.BlockSpec((1, in_ch, n), lambda bi, c: (bi, 0, c)),
            pl.BlockSpec(
                (1, in_ch, tail),
                lambda bi, c: (bi, 0,
                               jnp.minimum((c + 1) * (n // tail),
                                           max_tail_blk))),
            pl.BlockSpec((9, _OUT_CH, in_ch), lambda bi, c: (0, 0, 0)),
            pl.BlockSpec((_OUT_CH, 1), lambda bi, c: (0, 0)),
            pl.BlockSpec((16, 8), lambda bi, c: (0, 0)),
            pl.BlockSpec((32, 16), lambda bi, c: (0, 0)),
            pl.BlockSpec((64, 32), lambda bi, c: (0, 0)),
        ],
        out_specs=pl.BlockSpec((1, _OUT_CH, n), lambda bi, c: (bi, 0, c)),
        out_shape=jax.ShapeDtypeStruct((bsz, _OUT_CH, flat), jnp.float32),
        scratch_shapes=[pltpu.VMEM((in_ch, n + tail), jnp.float32)],
    )(x3, x3, w9, b2, c0, c1, c2)
    return out.reshape(bsz, _OUT_CH, h, hw)[:, :, :nrows, :nv]

# --- scband reference (transcript-rebuilt; emitter-appended) ---
"""Pipeline reference for scband-hierarchical-ring-top-k-84713934946307 (READ-ONLY COPY).

The authoritative reference and input builder live on the scoring server;
editing this copy changes nothing except your own understanding.
"""

import jax, jax.numpy as jnp
import numpy as np

IN_CH = 96
LEVELS = 4
KS = (2, 4, 8, 16)
CONNECTIVITY = 4
ATOMS = [8]
for _ in range(LEVELS - 1):
    ATOMS.append(ATOMS[-1] * 2)
TOTAL_ATOMS = int(np.sum(ATOMS))


def _conn_matrices():
    mats = []
    for i, atoms in enumerate(ATOMS[:-1]):
        nxt = ATOMS[i + 1]
        M = np.zeros((atoms, nxt), dtype=np.float32)
        for j in range(atoms):
            for k in range(j * 2, CONNECTIVITY + j * 2):
                M[j, k % nxt] += 1.0
        mats.append(jnp.asarray(M))
    return mats


CONN_MATS = _conn_matrices()


def _topk_mask(x, k):
    # x: [B, C, H, W]; top-k over channel dim by absolute value,
    # then keep original values at selected positions, zero elsewhere.
    xT = jnp.transpose(x, (0, 2, 3, 1))  # [B, H, W, C]
    vals, idxs = jax.lax.top_k(jnp.abs(xT), k)
    B, H, W, C = xT.shape
    out = jnp.full_like(xT, -999.99)
    bi = jnp.arange(B)[:, None, None, None]
    hi = jnp.arange(H)[None, :, None, None]
    wi = jnp.arange(W)[None, None, :, None]
    out = out.at[bi, hi, wi, idxs].set(vals)
    mask = (out != -999.99).astype(xT.dtype)
    res = xT * mask
    return jnp.transpose(res, (0, 3, 1, 2))


def _forward(x, W, b):
    acts = jax.lax.conv_general_dilated(
        x, W, window_strides=(1, 1), padding='VALID',
        dimension_numbers=('NCHW', 'OIHW', 'NCHW'))
    acts = acts + b[None, :, None, None]
    idx = 0
    descending_mask = None
    masked = None
    for i, na in enumerate(ATOMS):
        a = acts[:, idx:idx + na]
        idx += na
        if descending_mask is not None:
            # gate: OR over ring connections from previous level's selection mask
            gating = jnp.einsum('bihw,ij->bjhw', descending_mask, CONN_MATS[i - 1])
            a = a * (gating > 0).astype(a.dtype)
        sel = _topk_mask(a, KS[i])
        descending_mask = (sel != 0).astype(a.dtype)
        masked = sel if masked is None else jnp.concatenate([masked, sel], axis=1)
    return masked


def setup_inputs(seed: int = 0):
    key = jax.random.key(seed)
    k1, k2, k3 = jax.random.split(key, 3)
    x = jax.random.normal(k1, (4, IN_CH, 224, 224), dtype=jnp.float32)
    # conv dict weights (orthonormal-ish init approximated by scaled normal)
    W = jax.random.normal(k2, (TOTAL_ATOMS, IN_CH, 3, 3), dtype=jnp.float32) * 0.05
    b = jax.random.normal(k3, (TOTAL_ATOMS,), dtype=jnp.float32) * 0.01
    return {"x": x, "W": W, "b": b}


def reference(x, W, b):
    return _forward(x, W, b)

if __name__ == "__main__":
    import jax
    _d = setup_inputs()
    print(jax.jit(kernel)(*tuple(_d.values())))

</pallas_src>

<mosaic_0001>
module attributes {stable_mosaic.version = 14 : i64} {
  func.func @_body(%arg0: i32, %arg1: i32, %arg2: memref<1x96x3584xf32, #tpu.memory_space<vmem>>, %arg3: memref<1x96x512xf32, #tpu.memory_space<vmem>>, %arg4: memref<9x120x96xf32, #tpu.memory_space<vmem>>, %arg5: memref<120x1xf32, #tpu.memory_space<vmem>>, %arg6: memref<16x8xf32, #tpu.memory_space<vmem>>, %arg7: memref<32x16xf32, #tpu.memory_space<vmem>>, %arg8: memref<64x32xf32, #tpu.memory_space<vmem>>, %arg9: memref<1x120x3584xf32, #tpu.memory_space<vmem>>, %arg10: memref<96x4096xf32, #tpu.memory_space<vmem>>) attributes {dimension_semantics = [#tpu.dimension_semantics<arbitrary>, #tpu.dimension_semantics<arbitrary>], iteration_bounds = array<i64: 4, 14>, scalar_prefetch = 0 : i64, scratch_operands = 1 : i64, tpu.core_type = #tpu.core_type<tc>, window_params = [{transform_indices = @transform_0, window_bounds = array<i64: 1, 96, 3584>}, {transform_indices = @transform_1, window_bounds = array<i64: 1, 96, 512>}, {pipeline_mode = #tpu.pipeline_mode<synchronous>, transform_indices = @transform_2, window_bounds = array<i64: 9, 120, 96>}, {pipeline_mode = #tpu.pipeline_mode<synchronous>, transform_indices = @transform_3, window_bounds = array<i64: 120, 1>}, {pipeline_mode = #tpu.pipeline_mode<synchronous>, transform_indices = @transform_4, window_bounds = array<i64: 16, 8>}, {pipeline_mode = #tpu.pipeline_mode<synchronous>, transform_indices = @transform_5, window_bounds = array<i64: 32, 16>}, {pipeline_mode = #tpu.pipeline_mode<synchronous>, transform_indices = @transform_6, window_bounds = array<i64: 64, 32>}, {transform_indices = @transform_7, window_bounds = array<i64: 1, 120, 3584>}]} {
    %get3A = arith.constant 0 : index
    %get3A_0 = arith.constant 0 : index
    %get3A_1 = arith.constant 0 : index
    %get3A_2 = vector.load %arg2[%get3A, %get3A_0, %get3A_1] : memref<1x96x3584xf32, #tpu.memory_space<vmem>>, vector<1x96x3584xf32>
    %get3A_3 = vector.shape_cast %get3A_2 : vector<1x96x3584xf32> to vector<96x3584xf32>
    %swap3A = arith.constant 0 : index
    %swap3A_4 = arith.constant 0 : index
    %swap3A_5 = vector.load %arg10[%swap3A, %swap3A_4] : memref<96x4096xf32, #tpu.memory_space<vmem>>, vector<96x3584xf32>
    tpu.vector_store %arg10[%swap3A, %swap3A_4], %get3A_3 {strides = array<i32>} : memref<96x4096xf32, #tpu.memory_space<vmem>>, vector<96x3584xf32>,
    %get3A_6 = arith.constant 0 : index
    %get3A_7 = arith.constant 0 : index
    %get3A_8 = arith.constant 0 : index
    %get3A_9 = vector.load %arg3[%get3A_6, %get3A_7, %get3A_8] : memref<1x96x512xf32, #tpu.memory_space<vmem>>, vector<1x96x512xf32>
    %get3A_10 = vector.shape_cast %get3A_9 : vector<1x96x512xf32> to vector<96x512xf32>
    %swap3A_11 = arith.constant 0 : index
    %swap3A_12 = arith.constant 3584 : index
    %swap3A_13 = vector.load %arg10[%swap3A_11, %swap3A_12] : memref<96x4096xf32, #tpu.memory_space<vmem>>, vector<96x512xf32>
    tpu.vector_store %arg10[%swap3A_11, %swap3A_12], %get3A_10 {strides = array<i32>} : memref<96x4096xf32, #tpu.memory_space<vmem>>, vector<96x512xf32>,
    %broadcast_in_dim3A = arith.constant 0.000000e+00 : f32
    %broadcast_in_dim3A_14 = vector.broadcast %broadcast_in_dim3A : f32 to vector<120x3584xf32>
    %get3A_15 = arith.constant 0 : index
    %get3A_16 = arith.constant 0 : index
    %get3A_17 = arith.constant 0 : index
    %get3A_18 = vector.load %arg4[%get3A_15, %get3A_16, %get3A_17] : memref<9x120x96xf32, #tpu.memory_space<vmem>>, vector<1x120x96xf32>
    %get3A_19 = vector.shape_cast %get3A_18 : vector<1x120x96xf32> to vector<120x96xf32>
    %get3A_20 = arith.constant 0 : index
    %get3A_21 = arith.constant 0 : index
    %get3A_22 = vector.load %arg10[%get3A_20, %get3A_21] : memref<96x4096xf32, #tpu.memory_space<vmem>>, vector<96x3584xf32>
    %dot_general3A = arith.constant dense<0.000000e+00> : vector<120x3584xf32>
    %dot_general3A_23 = tpu.matmul %get3A_19, %get3A_22, %dot_general3A {dimension_numbers = #tpu.dot_dimension_numbers<[1], [0], [0], [1], [0, 0, 1, 1], [], []>, transpose_lhs_hint = false} : vector<120x96xf32>, vector<96x3584xf32>, vector<120x3584xf32> -> vector<120x3584xf32>
    %add3A = arith.addf %broadcast_in_dim3A_14, %dot_general3A_23 : vector<120x3584xf32>
    %get3A_24 = arith.constant 1 : index
    %get3A_25 = arith.constant 0 : index
    %get3A_26 = arith.constant 0 : index
    %get3A_27 = vector.load %arg4[%get3A_24, %get3A_25, %get3A_26] : memref<9x120x96xf32, #tpu.memory_space<vmem>>, vector<1x120x96xf32>
    %get3A_28 = vector.shape_cast %get3A_27 : vector<1x120x96xf32> to vector<120x96xf32>
    %get3A_29 = arith.constant 0 : index
    %get3A_30 = arith.constant 1 : index
    %get3A_31 = vector.load %arg10[%get3A_29, %get3A_30] : memref<96x4096xf32, #tpu.memory_space<vmem>>, vector<96x3584xf32>
    %dot_general3A_32 = arith.constant dense<0.000000e+00> : vector<120x3584xf32>
    %dot_general3A_33 = tpu.matmul %get3A_28, %get3A_31, %dot_general3A_32 {dimension_numbers = #tpu.dot_dimension_numbers<[1], [0], [0], [1], [0, 0, 1, 1], [], []>, transpose_lhs_hint = false} : vector<120x96xf32>, vector<96x3584xf32>, vector<120x3584xf32> -> vector<120x3584xf32>
    %add3A_34 = arith.addf %add3A, %dot_general3A_33 : vector<120x3584xf32>
    %get3A_35 = arith.constant 2 : index
    %get3A_36 = arith.constant 0 : index
    %get3A_37 = arith.constant 0 : index
    %get3A_38 = vector.load %arg4[%get3A_35, %get3A_36, %get3A_37] : memref<9x120x96xf32, #tpu.memory_space<vmem>>, vector<1x120x96xf32>
    %get3A_39 = vector.shape_cast %get3A_38 : vector<1x120x96xf32> to vector<120x96xf32>
    %get3A_40 = arith.constant 0 : index
    %get3A_41 = arith.constant 2 : index
    %get3A_42 = vector.load %arg10[%get3A_40, %get3A_41] : memref<96x4096xf32, #tpu.memory_space<vmem>>, vector<96x3584xf32>
    %dot_general3A_43 = arith.constant dense<0.000000e+00> : vector<120x3584xf32>
    %dot_general3A_44 = tpu.matmul %get3A_39, %get3A_42, %dot_general3A_43 {dimension_numbers = #tpu.dot_dimension_numbers<[1], [0], [0], [1], [0, 0, 1, 1], [], []>, transpose_lhs_hint = false} : vector<120x96xf32>, vector<96x3584xf32>, vector<120x3584xf32> -> vector<120x3584xf32>
    %add3A_45 = arith.addf %add3A_34, %dot_general3A_44 : vector<120x3584xf32>
    %get3A_46 = arith.constant 3 : index
    %get3A_47 = arith.constant 0 : index
    %get3A_48 = arith.constant 0 : index
    %get3A_49 = vector.load %arg4[%get3A_46, %get3A_47, %get3A_48] : memref<9x120x96xf32, #tpu.memory_space<vmem>>, vector<1x120x96xf32>
    %get3A_50 = vector.shape_cast %get3A_49 : vector<1x120x96xf32> to vector<120x96xf32>
    %get3A_51 = arith.constant 0 : index
    %get3A_52 = arith.constant 224 : index
    %get3A_53 = vector.load %arg10[%get3A_51, %get3A_52] : memref<96x4096xf32, #tpu.memory_space<vmem>>, vector<96x3584xf32>
    %dot_general3A_54 = arith.constant dense<0.000000e+00> : vector<120x3584xf32>
    %dot_general3A_55 = tpu.matmul %get3A_50, %get3A_53, %dot_general3A_54 {dimension_numbers = #tpu.dot_dimension_numbers<[1], [0], [0], [1], [0, 0, 1, 1], [], []>, transpose_lhs_hint = false} : vector<120x96xf32>, vector<96x3584xf32>, vector<120x3584xf32> -> vector<120x3584xf32>
    %add3A_56 = arith.addf %add3A_45, %dot_general3A_55 : vector<120x3584xf32>
    %get3A_57 = arith.constant 4 : index
    %get3A_58 = arith.constant 0 : index
    %get3A_59 = arith.constant 0 : index
    %get3A_60 = vector.load %arg4[%get3A_57, %get3A_58, %get3A_59] : memref<9x120x96xf32, #tpu.memory_space<vmem>>, vector<1x120x96xf32>
    %get3A_61 = vector.shape_cast %get3A_60 : vector<1x120x96xf32> to vector<120x96xf32>
    %get3A_62 = arith.constant 0 : index
    %get3A_63 = arith.constant 225 : index
    %get3A_64 = vector.load %arg10[%get3A_62, %get3A_63] : memref<96x4096xf32, #tpu.memory_space<vmem>>, vector<96x3584xf32>
    %dot_general3A_65 = arith.constant dense<0.000000e+00> : vector<120x3584xf32>
    %dot_general3A_66 = tpu.matmul %get3A_61, %get3A_64, %dot_general3A_65 {dimension_numbers = #tpu.dot_dimension_numbers<[1], [0], [0], [1], [0, 0, 1, 1], [], []>, transpose_lhs_hint = false} : vector<120x96xf32>, vector<96x3584xf32>, vector<120x3584xf32> -> vector<120x3584xf32>
    %add3A_67 = arith.addf %add3A_56, %dot_general3A_66 : vector<120x3584xf32>
    %get3A_68 = arith.constant 5 : index
    %get3A_69 = arith.constant 0 : index
    %get3A_70 = arith.constant 0 : index
    %get3A_71 = vector.load %arg4[%get3A_68, %get3A_69, %get3A_70] : memref<9x120x96xf32, #tpu.memory_space<vmem>>, vector<1x120x96xf32>
    %get3A_72 = vector.shape_cast %get3A_71 : vector<1x120x96xf32> to vector<120x96xf32>
    %get3A_73 = arith.constant 0 : index
    %get3A_74 = arith.constant 226 : index
    %get3A_75 = vector.load %arg10[%get3A_73, %get3A_74] : memref<96x4096xf32, #tpu.memory_space<vmem>>, vector<96x3584xf32>
    %dot_general3A_76 = arith.constant dense<0.000000e+00> : vector<120x3584xf32>
    %dot_general3A_77 = tpu.matmul %get3A_72, %get3A_75, %dot_general3A_76 {dimension_numbers = #tpu.dot_dimension_numbers<[1], [0], [0], [1], [0, 0, 1, 1], [], []>, transpose_lhs_hint = false} : vector<120x96xf32>, vector<96x3584xf32>, vector<120x3584xf32> -> vector<120x3584xf32>
    %add3A_78 = arith.addf %add3A_67, %dot_general3A_77 : vector<120x3584xf32>
    %get3A_79 = arith.constant 6 : index
    %get3A_80 = arith.constant 0 : index
    %get3A_81 = arith.constant 0 : index
    %get3A_82 = vector.load %arg4[%get3A_79, %get3A_80, %get3A_81] : memref<9x120x96xf32, #tpu.memory_space<vmem>>, vector<1x120x96xf32>
    %get3A_83 = vector.shape_cast %get3A_82 : vector<1x120x96xf32> to vector<120x96xf32>
    %get3A_84 = arith.constant 0 : index
    %get3A_85 = arith.constant 448 : index
    %get3A_86 = vector.load %arg10[%get3A_84, %get3A_85] : memref<96x4096xf32, #tpu.memory_space<vmem>>, vector<96x3584xf32>
    %dot_general3A_87 = arith.constant dense<0.000000e+00> : vector<120x3584xf32>
    %dot_general3A_88 = tpu.matmul %get3A_83, %get3A_86, %dot_general3A_87 {dimension_numbers = #tpu.dot_dimension_numbers<[1], [0], [0], [1], [0, 0, 1, 1], [], []>, transpose_lhs_hint = false} : vector<120x96xf32>, vector<96x3584xf32>, vector<120x3584xf32> -> vector<120x3584xf32>
    %add3A_89 = arith.addf %add3A_78, %dot_general3A_88 : vector<120x3584xf32>
    %get3A_90 = arith.constant 7 : index
    %get3A_91 = arith.constant 0 : index
    %get3A_92 = arith.constant 0 : index
    %get3A_93 = vector.load %arg4[%get3A_90, %get3A_91, %get3A_92] : memref<9x120x96xf32, #tpu.memory_space<vmem>>, vector<1x120x96xf32>
    %get3A_94 = vector.shape_cast %get3A_93 : vector<1x120x96xf32> to vector<120x96xf32>
    %get3A_95 = arith.constant 0 : index
    %get3A_96 = arith.constant 449 : index
    %get3A_97 = vector.load %arg10[%get3A_95, %get3A_96] : memref<96x4096xf32, #tpu.memory_space<vmem>>, vector<96x3584xf32>
    %dot_general3A_98 = arith.constant dense<0.000000e+00> : vector<120x3584xf32>
    %dot_general3A_99 = tpu.matmul %get3A_94, %get3A_97, %dot_general3A_98 {dimension_numbers = #tpu.dot_dimension_numbers<[1], [0], [0], [1], [0, 0, 1, 1], [], []>, transpose_lhs_hint = false} : vector<120x96xf32>, vector<96x3584xf32>, vector<120x3584xf32> -> vector<120x3584xf32>
    %add3A_100 = arith.addf %add3A_89, %dot_general3A_99 : vector<120x3584xf32>
    %get3A_101 = arith.constant 8 : index
    %get3A_102 = arith.constant 0 : index
    %get3A_103 = arith.constant 0 : index
    %get3A_104 = vector.load %arg4[%get3A_101, %get3A_102, %get3A_103] : memref<9x120x96xf32, #tpu.memory_space<vmem>>, vector<1x120x96xf32>
    %get3A_105 = vector.shape_cast %get3A_104 : vector<1x120x96xf32> to vector<120x96xf32>
    %get3A_106 = arith.constant 0 : index
    %get3A_107 = arith.constant 450 : index
    %get3A_108 = vector.load %arg10[%get3A_106, %get3A_107] : memref<96x4096xf32, #tpu.memory_space<vmem>>, vector<96x3584xf32>
    %dot_general3A_109 = arith.constant dense<0.000000e+00> : vector<120x3584xf32>
    %dot_general3A_110 = tpu.matmul %get3A_105, %get3A_108, %dot_general3A_109 {dimension_numbers = #tpu.dot_dimension_numbers<[1], [0], [0], [1], [0, 0, 1, 1], [], []>, transpose_lhs_hint = false} : vector<120x96xf32>, vector<96x3584xf32>, vector<120x3584xf32> -> vector<120x3584xf32>
    %add3A_111 = arith.addf %add3A_100, %dot_general3A_110 : vector<120x3584xf32>
    %get3A_112 = arith.constant 0 : index
    %get3A_113 = arith.constant 0 : index
    %get3A_114 = vector.load %arg5[%get3A_112, %get3A_113] : memref<120x1xf32, #tpu.memory_space<vmem>>, vector<120x1xf32>
    %add3A_115 = vector.broadcast %get3A_114 : vector<120x1xf32> to vector<120x3584xf32>
    %add3A_116 = arith.addf %add3A_111, %add3A_115 : vector<120x3584xf32>
    %slice3A = vector.extract_strided_slice %add3A_116 {offsets = [0, 0], sizes = [8, 3584], strides = [1, 1]} : vector<120x3584xf32> to vector<8x3584xf32>
    %bitcast_convert_type3A = tpu.bitcast %slice3A : vector<8x3584xf32> -> vector<8x3584xi32>
    %and3A = arith.constant 2147483647 : i32
    %and3A_117 = vector.broadcast %and3A : i32 to vector<8x3584xi32>
    %and3A_118 = arith.andi %bitcast_convert_type3A, %and3A_117 : vector<8x3584xi32>
    %iota3A = tpu.iota {dimensions = array<i32: 0>} : vector<8x3584xi32>
    %and3A_119 = arith.constant -8 : i32
    %and3A_120 = vector.broadcast %and3A_119 : i32 to vector<8x3584xi32>
    %and3A_121 = arith.andi %and3A_118, %and3A_120 : vector<8x3584xi32>
    %sub3A = arith.constant 7 : i32
    %sub3A_122 = vector.broadcast %sub3A : i32 to vector<8x3584xi32>
    %sub3A_123 = arith.subi %sub3A_122, %iota3A : vector<8x3584xi32>
    %or3A = arith.ori %and3A_121, %sub3A_123 : vector<8x3584xi32>
    %broadcast_in_dim3A_124 = arith.constant -2147483648 : i32
    %broadcast_in_dim3A_125 = vector.broadcast %broadcast_in_dim3A_124 : i32 to vector<8x3584xi32>
    %roll3A = arith.constant 4 : i32
    %roll3A_126 = tpu.dynamic_rotate %or3A by %roll3A dim 0 : vector<8x3584xi32>, i32 -> vector<8x3584xi32>
    %max3A = arith.maxsi %or3A, %roll3A_126 : vector<8x3584xi32>
    %roll3A_127 = arith.constant 2 : i32
    %roll3A_128 = tpu.dynamic_rotate %max3A by %roll3A_127 dim 0 : vector<8x3584xi32>, i32 -> vector<8x3584xi32>
    %max3A_129 = arith.maxsi %max3A, %roll3A_128 : vector<8x3584xi32>
    %roll3A_130 = arith.constant 1 : i32
    %roll3A_131 = tpu.dynamic_rotate %max3A_129 by %roll3A_130 dim 0 : vector<8x3584xi32>, i32 -> vector<8x3584xi32>
    %max3A_132 = arith.maxsi %max3A_129, %roll3A_131 : vector<8x3584xi32>
    %eq3A = arith.cmpi eq, %or3A, %max3A_132 : vector<8x3584xi32>
    %select_n3A = arith.select %eq3A, %broadcast_in_dim3A_125, %or3A : vector<8x3584xi1>, vector<8x3584xi32>
    %roll3A_133 = arith.constant 4 : i32
    %roll3A_134 = tpu.dynamic_rotate %select_n3A by %roll3A_133 dim 0 : vector<8x3584xi32>, i32 -> vector<8x3584xi32>
    %max3A_135 = arith.maxsi %select_n3A, %roll3A_134 : vector<8x3584xi32>
    %roll3A_136 = arith.constant 2 : i32
    %roll3A_137 = tpu.dynamic_rotate %max3A_135 by %roll3A_136 dim 0 : vector<8x3584xi32>, i32 -> vector<8x3584xi32>
    %max3A_138 = arith.maxsi %max3A_135, %roll3A_137 : vector<8x3584xi32>
    %roll3A_139 = arith.constant 1 : i32
    %roll3A_140 = tpu.dynamic_rotate %max3A_138 by %roll3A_139 dim 0 : vector<8x3584xi32>, i32 -> vector<8x3584xi32>
    %max3A_141 = arith.maxsi %max3A_138, %roll3A_140 : vector<8x3584xi32>
    %ge3A = arith.cmpi sge, %or3A, %max3A_141 : vector<8x3584xi32>
    %jit3A = arith.constant 0.000000e+00 : f32
    %broadcast_in_dim3A_142 = vector.broadcast %jit3A : f32 to vector<8x3584xf32>
    %select_n3A_143 = arith.select %ge3A, %slice3A, %broadcast_in_dim3A_142 : vector<8x3584xi1>, vector<8x3584xf32>
    %ne3A = arith.constant 0.000000e+00 : f32
    %ne3A_144 = vector.broadcast %ne3A : f32 to vector<8x3584xf32>
    %ne3A_145 = arith.cmpf one, %select_n3A_143, %ne3A_144 : vector<8x3584xf32>
    %convert_element_type3A = arith.extui %ne3A_145 : vector<8x3584xi1> to vector<8x3584xi32>
    %convert_element_type3A_146 = arith.sitofp %convert_element_type3A : vector<8x3584xi32> to vector<8x3584xf32>
    %swap3A_147 = arith.constant 0 : index
    %swap3A_148 = arith.constant 0 : index
    %swap3A_149 = arith.constant 0 : index
    %swap3A_150 = vector.load %arg9[%swap3A_147, %swap3A_148, %swap3A_149] : memref<1x120x3584xf32, #tpu.memory_space<vmem>>, vector<1x8x3584xf32>
    %swap3A_151 = vector.shape_cast %swap3A_150 : vector<1x8x3584xf32> to vector<8x3584xf32>
    %swap3A_152 = vector.shape_cast %select_n3A_143 : vector<8x3584xf32> to vector<1x8x3584xf32>
    tpu.vector_store %arg9[%swap3A_147, %swap3A_148, %swap3A_149], %swap3A_152 {strides = array<i32>} : memref<1x120x3584xf32, #tpu.memory_space<vmem>>, vector<1x8x3584xf32>,
    %slice3A_153 = vector.extract_strided_slice %add3A_116 {offsets = [8, 0], sizes = [16, 3584], strides = [1, 1]} : vector<120x3584xf32> to vector<16x3584xf32>
    %get3A_154 = arith.constant 0 : index
    %get3A_155 = arith.constant 0 : index
    %get3A_156 = vector.load %arg6[%get3A_154, %get3A_155] : memref<16x8xf32, #tpu.memory_space<vmem>>, vector<16x8xf32>
    %dot_general3A_157 = arith.constant dense<0.000000e+00> : vector<16x3584xf32>
    %dot_general3A_158 = tpu.matmul %get3A_156, %convert_element_type3A_146, %dot_general3A_157 {dimension_numbers = #tpu.dot_dimension_numbers<[1], [0], [0], [1], [0, 0, 1, 1], [], []>, transpose_lhs_hint = false} : vector<16x8xf32>, vector<8x3584xf32>, vector<16x3584xf32> -> vector<16x3584xf32>
    %gt3A = arith.constant 0.000000e+00 : f32
    %gt3A_159 = vector.broadcast %gt3A : f32 to vector<16x3584xf32>
    %gt3A_160 = arith.cmpf ogt, %dot_general3A_158, %gt3A_159 : vector<16x3584xf32>
    %convert_element_type3A_161 = arith.extui %gt3A_160 : vector<16x3584xi1> to vector<16x3584xi32>
    %convert_element_type3A_162 = arith.sitofp %convert_element_type3A_161 : vector<16x3584xi32> to vector<16x3584xf32>
    %mul3A = arith.mulf %slice3A_153, %convert_element_type3A_162 : vector<16x3584xf32>
    %bitcast_convert_type3A_163 = tpu.bitcast %mul3A : vector<16x3584xf32> -> vector<16x3584xi32>
    %and3A_164 = arith.constant 2147483647 : i32
    %and3A_165 = vector.broadcast %and3A_164 : i32 to vector<16x3584xi32>
    %and3A_166 = arith.andi %bitcast_convert_type3A_163, %and3A_165 : vector<16x3584xi32>
    %iota3A_167 = tpu.iota {dimensions = array<i32: 0>} : vector<16x3584xi32>
    %and3A_168 = arith.constant -16 : i32
    %and3A_169 = vector.broadcast %and3A_168 : i32 to vector<16x3584xi32>
    %and3A_170 = arith.andi %and3A_166, %and3A_169 : vector<16x3584xi32>
    %sub3A_171 = arith.constant 15 : i32
    %sub3A_172 = vector.broadcast %sub3A_171 : i32 to vector<16x3584xi32>
    %sub3A_173 = arith.subi %sub3A_172, %iota3A_167 : vector<16x3584xi32>
    %or3A_174 = arith.ori %and3A_170, %sub3A_173 : vector<16x3584xi32>
    %slice3A_175 = vector.extract_strided_slice %or3A_174 {offsets = [0, 0], sizes = [8, 3584], strides = [1, 1]} : vector<16x3584xi32> to vector<8x3584xi32>
    %slice3A_176 = vector.extract_strided_slice %or3A_174 {offsets = [8, 0], sizes = [8, 3584], strides = [1, 1]} : vector<16x3584xi32> to vector<8x3584xi32>
    %max3A_177 = arith.maxsi %slice3A_175, %slice3A_176 : vector<8x3584xi32>
    %min3A = arith.minsi %slice3A_175, %slice3A_176 : vector<8x3584xi32>
    %broadcast_in_dim3A_178 = arith.constant -2147483648 : i32
    %broadcast_in_dim3A_179 = vector.broadcast %broadcast_in_dim3A_178 : i32 to vector<8x3584xi32>
    %roll3A_180 = arith.constant 4 : i32
    %roll3A_181 = tpu.dynamic_rotate %max3A_177 by %roll3A_180 dim 0 : vector<8x3584xi32>, i32 -> vector<8x3584xi32>
    %max3A_182 = arith.maxsi %max3A_177, %roll3A_181 : vector<8x3584xi32>
    %roll3A_183 = arith.constant 2 : i32
    %roll3A_184 = tpu.dynamic_rotate %max3A_182 by %roll3A_183 dim 0 : vector<8x3584xi32>, i32 -> vector<8x3584xi32>
    %max3A_185 = arith.maxsi %max3A_182, %roll3A_184 : vector<8x3584xi32>
    %roll3A_186 = arith.constant 1 : i32
    %roll3A_187 = tpu.dynamic_rotate %max3A_185 by %roll3A_186 dim 0 : vector<8x3584xi32>, i32 -> vector<8x3584xi32>
    %max3A_188 = arith.maxsi %max3A_185, %roll3A_187 : vector<8x3584xi32>
    %eq3A_189 = arith.cmpi eq, %max3A_177, %max3A_188 : vector<8x3584xi32>
    %select_n3A_190 = arith.select %eq3A_189, %min3A, %max3A_177 : vector<8x3584xi1>, vector<8x3584xi32>
    %select_n3A_191 = arith.select %eq3A_189, %broadcast_in_dim3A_179, %min3A : vector<8x3584xi1>, vector<8x3584xi32>
    %roll3A_192 = arith.constant 4 : i32
    %roll3A_193 = tpu.dynamic_rotate %select_n3A_190 by %roll3A_192 dim 0 : vector<8x3584xi32>, i32 -> vector<8x3584xi32>
    %max3A_194 = arith.maxsi %select_n3A_190, %roll3A_193 : vector<8x3584xi32>
    %roll3A_195 = arith.constant 2 : i32
    %roll3A_196 = tpu.dynamic_rotate %max3A_194 by %roll3A_195 dim 0 : vector<8x3584xi32>, i32 -> vector<8x3584xi32>
    %max3A_197 = arith.maxsi %max3A_194, %roll3A_196 : vector<8x3584xi32>
    %roll3A_198 = arith.constant 1 : i32
    %roll3A_199 = tpu.dynamic_rotate %max3A_197 by %roll3A_198 dim 0 : vector<8x3584xi32>, i32 -> vector<8x3584xi32>
    %max3A_200 = arith.maxsi %max3A_197, %roll3A_199 : vector<8x3584xi32>
    %eq3A_201 = arith.cmpi eq, %select_n3A_190, %max3A_200 : vector<8x3584xi32>
    %select_n3A_202 = arith.select %eq3A_201, %select_n3A_191, %select_n3A_190 : vector<8x3584xi1>, vector<8x3584xi32>
    %select_n3A_203 = arith.select %eq3A_201, %broadcast_in_dim3A_179, %select_n3A_191 : vector<8x3584xi1>, vector<8x3584xi32>
    %roll3A_204 = arith.constant 4 : i32
    %roll3A_205 = tpu.dynamic_rotate %select_n3A_202 by %roll3A_204 dim 0 : vector<8x3584xi32>, i32 -> vector<8x3584xi32>
    %max3A_206 = arith.maxsi %select_n3A_202, %roll3A_205 : vector<8x3584xi32>
    %roll3A_207 = arith.constant 2 : i32
    %roll3A_208 = tpu.dynamic_rotate %max3A_206 by %roll3A_207 dim 0 : vector<8x3584xi32>, i32 -> vector<8x3584xi32>
    %max3A_209 = arith.maxsi %max3A_206, %roll3A_208 : vector<8x3584xi32>
    %roll3A_210 = arith.constant 1 : i32
    %roll3A_211 = tpu.dynamic_rotate %max3A_209 by %roll3A_210 dim 0 : vector<8x3584xi32>, i32 -> vector<8x3584xi32>
    %max3A_212 = arith.maxsi %max3A_209, %roll3A_211 : vector<8x3584xi32>
    %eq3A_213 = arith.cmpi eq, %select_n3A_202, %max3A_212 : vector<8x3584xi32>
    %select_n3A_214 = arith.select %eq3A_213, %select_n3A_203, %select_n3A_202 : vector<8x3584xi1>, vector<8x3584xi32>
    %roll3A_215 = arith.constant 4 : i32
    %roll3A_216 = tpu.dynamic_rotate %select_n3A_214 by %roll3A_215 dim 0 : vector<8x3584xi32>, i32 -> vector<8x3584xi32>
    %max3A_217 = arith.maxsi %select_n3A_214, %roll3A_216 : vector<8x3584xi32>
    %roll3A_218 = arith.constant 2 : i32
    %roll3A_219 = tpu.dynamic_rotate %max3A_217 by %roll3A_218 dim 0 : vector<8x3584xi32>, i32 -> vector<8x3584xi32>
    %max3A_220 = arith.maxsi %max3A_217, %roll3A_219 : vector<8x3584xi32>
    %roll3A_221 = arith.constant 1 : i32
    %roll3A_222 = tpu.dynamic_rotate %max3A_220 by %roll3A_221 dim 0 : vector<8x3584xi32>, i32 -> vector<8x3584xi32>
    %max3A_223 = arith.maxsi %max3A_220, %roll3A_222 : vector<8x3584xi32>
    %ge3A_224 = arith.cmpi sge, %slice3A_175, %max3A_223 : vector<8x3584xi32>
    %slice3A_225 = vector.extract_strided_slice %mul3A {offsets = [0, 0], sizes = [8, 3584], strides = [1, 1]} : vector<16x3584xf32> to vector<8x3584xf32>
    %jit3A_226 = arith.constant 0.000000e+00 : f32
    %broadcast_in_dim3A_227 = vector.broadcast %jit3A_226 : f32 to vector<8x3584xf32>
    %select_n3A_228 = arith.select %ge3A_224, %slice3A_225, %broadcast_in_dim3A_227 : vector<8x3584xi1>, vector<8x3584xf32>
    %ge3A_229 = arith.cmpi sge, %slice3A_176, %max3A_223 : vector<8x3584xi32>
    %slice3A_230 = vector.extract_strided_slice %mul3A {offsets = [8, 0], sizes = [8, 3584], strides = [1, 1]} : vector<16x3584xf32> to vector<8x3584xf32>
    %jit3A_231 = arith.constant 0.000000e+00 : f32
    %broadcast_in_dim3A_232 = vector.broadcast %jit3A_231 : f32 to vector<8x3584xf32>
    %select_n3A_233 = arith.select %ge3A_229, %slice3A_230, %broadcast_in_dim3A_232 : vector<8x3584xi1>, vector<8x3584xf32>
    %concatenate3A = tpu.concatenate %select_n3A_228, %select_n3A_233 in 0 : vector<8x3584xf32>, vector<8x3584xf32> -> vector<16x3584xf32>
    %ne3A_234 = arith.constant 0.000000e+00 : f32
    %ne3A_235 = vector.broadcast %ne3A_234 : f32 to vector<16x3584xf32>
    %ne3A_236 = arith.cmpf one, %concatenate3A, %ne3A_235 : vector<16x3584xf32>
    %convert_element_type3A_237 = arith.extui %ne3A_236 : vector<16x3584xi1> to vector<16x3584xi32>
    %convert_element_type3A_238 = arith.sitofp %convert_element_type3A_237 : vector<16x3584xi32> to vector<16x3584xf32>
    %swap3A_239 = arith.constant 0 : index
    %swap3A_240 = arith.constant 8 : index
    %swap3A_241 = arith.constant 0 : index
    %swap3A_242 = vector.load %arg9[%swap3A_239, %swap3A_240, %swap3A_241] : memref<1x120x3584xf32, #tpu.memory_space<vmem>>, vector<1x16x3584xf32>
    %swap3A_243 = vector.shape_cast %swap3A_242 : vector<1x16x3584xf32> to vector<16x3584xf32>
    %swap3A_244 = vector.shape_cast %concatenate3A : vector<16x3584xf32> to vector<1x16x3584xf32>
    tpu.vector_store %arg9[%swap3A_239, %swap3A_240, %swap3A_241], %swap3A_244 {strides = array<i32>} : memref<1x120x3584xf32, #tpu.memory_space<vmem>>, vector<1x16x3584xf32>,
    %slice3A_245 = vector.extract_strided_slice %add3A_116 {offsets = [24, 0], sizes = [32, 3584], strides = [1, 1]} : vector<120x3584xf32> to vector<32x3584xf32>
    %get3A_246 = arith.constant 0 : index
    %get3A_247 = arith.constant 0 : index
    %get3A_248 = vector.load %arg7[%get3A_246, %get3A_247] : memref<32x16xf32, #tpu.memory_space<vmem>>, vector<32x16xf32>
    %dot_general3A_249 = arith.constant dense<0.000000e+00> : vector<32x3584xf32>
    %dot_general3A_250 = tpu.matmul %get3A_248, %convert_element_type3A_238, %dot_general3A_249 {dimension_numbers = #tpu.dot_dimension_numbers<[1], [0], [0], [1], [0, 0, 1, 1], [], []>, transpose_lhs_hint = false} : vector<32x16xf32>, vector<16x3584xf32>, vector<32x3584xf32> -> vector<32x3584xf32>
    %gt3A_251 = arith.constant 0.000000e+00 : f32
    %gt3A_252 = vector.broadcast %gt3A_251 : f32 to vector<32x3584xf32>
    %gt3A_253 = arith.cmpf ogt, %dot_general3A_250, %gt3A_252 : vector<32x3584xf32>
    %convert_element_type3A_254 = arith.extui %gt3A_253 : vector<32x3584xi1> to vector<32x3584xi32>
    %convert_element_type3A_255 = arith.sitofp %convert_element_type3A_254 : vector<32x3584xi32> to vector<32x3584xf32>
    %mul3A_256 = arith.mulf %slice3A_245, %convert_element_type3A_255 : vector<32x3584xf32>
    %bitcast_convert_type3A_257 = tpu.bitcast %mul3A_256 : vector<32x3584xf32> -> vector<32x3584xi32>
    %and3A_258 = arith.constant 2147483647 : i32
    %and3A_259 = vector.broadcast %and3A_258 : i32 to vector<32x3584xi32>
    %and3A_260 = arith.andi %bitcast_convert_type3A_257, %and3A_259 : vector<32x3584xi32>
    %iota3A_261 = tpu.iota {dimensions = array<i32: 0>} : vector<32x3584xi32>
    %and3A_262 = arith.constant -32 : i32
    %and3A_263 = vector.broadcast %and3A_262 : i32 to vector<32x3584xi32>
    %and3A_264 = arith.andi %and3A_260, %and3A_263 : vector<32x3584xi32>
    %sub3A_265 = arith.constant 31 : i32
    %sub3A_266 = vector.broadcast %sub3A_265 : i32 to vector<32x3584xi32>
    %sub3A_267 = arith.subi %sub3A_266, %iota3A_261 : vector<32x3584xi32>
    %or3A_268 = arith.ori %and3A_264, %sub3A_267 : vector<32x3584xi32>
    %slice3A_269 = vector.extract_strided_slice %or3A_268 {offsets = [0, 0], sizes = [8, 3584], strides = [1, 1]} : vector<32x3584xi32> to vector<8x3584xi32>
    %slice3A_270 = vector.extract_strided_slice %or3A_268 {offsets = [8, 0], sizes = [8, 3584], strides = [1, 1]} : vector<32x3584xi32> to vector<8x3584xi32>
    %slice3A_271 = vector.extract_strided_slice %or3A_268 {offsets = [16, 0], sizes = [8, 3584], strides = [1, 1]} : vector<32x3584xi32> to vector<8x3584xi32>
    %slice3A_272 = vector.extract_strided_slice %or3A_268 {offsets = [24, 0], sizes = [8, 3584], strides = [1, 1]} : vector<32x3584xi32> to vector<8x3584xi32>
    %max3A_273 = arith.maxsi %slice3A_269, %slice3A_270 : vector<8x3584xi32>
    %min3A_274 = arith.minsi %slice3A_269, %slice3A_270 : vector<8x3584xi32>
    %max3A_275 = arith.maxsi %slice3A_271, %slice3A_272 : vector<8x3584xi32>
    %min3A_276 = arith.minsi %slice3A_271, %slice3A_272 : vector<8x3584xi32>
    %max3A_277 = arith.maxsi %max3A_273, %max3A_275 : vector<8x3584xi32>
    %min3A_278 = arith.minsi %max3A_273, %max3A_275 : vector<8x3584xi32>
    %max3A_279 = arith.maxsi %min3A_274, %min3A_276 : vector<8x3584xi32>
    %min3A_280 = arith.minsi %min3A_274, %min3A_276 : vector<8x3584xi32>
    %max3A_281 = arith.maxsi %max3A_279, %min3A_278 : vector<8x3584xi32>
    %min3A_282 = arith.minsi %max3A_279, %min3A_278 : vector<8x3584xi32>
    %broadcast_in_dim3A_283 = arith.constant -2147483648 : i32
    %broadcast_in_dim3A_284 = vector.broadcast %broadcast_in_dim3A_283 : i32 to vector<8x3584xi32>
    %roll3A_285 = arith.constant 4 : i32
    %roll3A_286 = tpu.dynamic_rotate %max3A_277 by %roll3A_285 dim 0 : vector<8x3584xi32>, i32 -> vector<8x3584xi32>
    %max3A_287 = arith.maxsi %max3A_277, %roll3A_286 : vector<8x3584xi32>
    %roll3A_288 = arith.constant 2 : i32
    %roll3A_289 = tpu.dynamic_rotate %max3A_287 by %roll3A_288 dim 0 : vector<8x3584xi32>, i32 -> vector<8x3584xi32>
    %max3A_290 = arith.maxsi %max3A_287, %roll3A_289 : vector<8x3584xi32>
    %roll3A_291 = arith.constant 1 : i32
    %roll3A_292 = tpu.dynamic_rotate %max3A_290 by %roll3A_291 dim 0 : vector<8x3584xi32>, i32 -> vector<8x3584xi32>
    %max3A_293 = arith.maxsi %max3A_290, %roll3A_292 : vector<8x3584xi32>
    %eq3A_294 = arith.cmpi eq, %max3A_277, %max3A_293 : vector<8x3584xi32>
    %select_n3A_295 = arith.select %eq3A_294, %max3A_281, %max3A_277 : vector<8x3584xi1>, vector<8x3584xi32>
    %select_n3A_296 = arith.select %eq3A_294, %min3A_282, %max3A_281 : vector<8x3584xi1>, vector<8x3584xi32>
    %select_n3A_297 = arith.select %eq3A_294, %min3A_280, %min3A_282 : vector<8x3584xi1>, vector<8x3584xi32>
    %select_n3A_298 = arith.select %eq3A_294, %broadcast_in_dim3A_284, %min3A_280 : vector<8x3584xi1>, vector<8x3584xi32>
    %roll3A_299 = arith.constant 4 : i32
    %roll3A_300 = tpu.dynamic_rotate %select_n3A_295 by %roll3A_299 dim 0 : vector<8x3584xi32>, i32 -> vector<8x3584xi32>
    %max3A_301 = arith.maxsi %select_n3A_295, %roll3A_300 : vector<8x3584xi32>
    %roll3A_302 = arith.constant 2 : i32
    %roll3A_303 = tpu.dynamic_rotate %max3A_301 by %roll3A_302 dim 0 : vector<8x3584xi32>, i32 -> vector<8x3584xi32>
    %max3A_304 = arith.maxsi %max3A_301, %roll3A_303 : vector<8x3584xi32>
    %roll3A_305 = arith.constant 1 : i32
    %roll3A_306 = tpu.dynamic_rotate %max3A_304 by %roll3A_305 dim 0 : vector<8x3584xi32>, i32 -> vector<8x3584xi32>
    %max3A_307 = arith.maxsi %max3A_304, %roll3A_306 : vector<8x3584xi32>
    %eq3A_308 = arith.cmpi eq, %select_n3A_295, %max3A_307 : vector<8x3584xi32>
    %select_n3A_309 = arith.select %eq3A_308, %select_n3A_296, %select_n3A_295 : vector<8x3584xi1>, vector<8x3584xi32>
    %select_n3A_310 = arith.select %eq3A_308, %select_n3A_297, %select_n3A_296 : vector<8x3584xi1>, vector<8x3584xi32>
    %select_n3A_311 = arith.select %eq3A_308, %select_n3A_298, %select_n3A_297 : vector<8x3584xi1>, vector<8x3584xi32>
    %select_n3A_312 = arith.select %eq3A_308, %broadcast_in_dim3A_284, %select_n3A_298 : vector<8x3584xi1>, vector<8x3584xi32>
    %roll3A_313 = arith.constant 4 : i32
    %roll3A_314 = tpu.dynamic_rotate %select_n3A_309 by %roll3A_313 dim 0 : vector<8x3584xi32>, i32 -> vector<8x3584xi32>
    %max3A_315 = arith.maxsi %select_n3A_309, %roll3A_314 : vector<8x3584xi32>
    %roll3A_316 = arith.constant 2 : i32
    %roll3A_317 = tpu.dynamic_rotate %max3A_315 by %roll3A_316 dim 0 : vector<8x3584xi32>, i32 -> vector<8x3584xi32>
    %max3A_318 = arith.maxsi %max3A_315, %roll3A_317 : vector<8x3584xi32>
    %roll3A_319 = arith.constant 1 : i32
    %roll3A_320 = tpu.dynamic_rotate %max3A_318 by %roll3A_319 dim 0 : vector<8x3584xi32>, i32 -> vector<8x3584xi32>
    %max3A_321 = arith.maxsi %max3A_318, %roll3A_320 : vector<8x3584xi32>
    %eq3A_322 = arith.cmpi eq, %select_n3A_309, %max3A_321 : vector<8x3584xi32>
    %select_n3A_323 = arith.select %eq3A_322, %select_n3A_310, %select_n3A_309 : vector<8x3584xi1>, vector<8x3584xi32>
    %select_n3A_324 = arith.select %eq3A_322, %select_n3A_311, %select_n3A_310 : vector<8x3584xi1>, vector<8x3584xi32>
    %select_n3A_325 = arith.select %eq3A_322, %select_n3A_312, %select_n3A_311 : vector<8x3584xi1>, vector<8x3584xi32>
    %select_n3A_326 = arith.select %eq3A_322, %broadcast_in_dim3A_284, %select_n3A_312 : vector<8x3584xi1>, vector<8x3584xi32>
    %roll3A_327 = arith.constant 4 : i32
    %roll3A_328 = tpu.dynamic_rotate %select_n3A_323 by %roll3A_327 dim 0 : vector<8x3584xi32>, i32 -> vector<8x3584xi32>
    %max3A_329 = arith.maxsi %select_n3A_323, %roll3A_328 : vector<8x3584xi32>
    %roll3A_330 = arith.constant 2 : i32
    %roll3A_331 = tpu.dynamic_rotate %max3A_329 by %roll3A_330 dim 0 : vector<8x3584xi32>, i32 -> vector<8x3584xi32>
    %max3A_332 = arith.maxsi %max3A_329, %roll3A_331 : vector<8x3584xi32>
    %roll3A_333 = arith.constant 1 : i32
    %roll3A_334 = tpu.dynamic_rotate %max3A_332 by %roll3A_333 dim 0 : vector<8x3584xi32>, i32 -> vector<8x3584xi32>
    %max3A_335 = arith.maxsi %max3A_332, %roll3A_334 : vector<8x3584xi32>
    %eq3A_336 = arith.cmpi eq, %select_n3A_323, %max3A_335 : vector<8x3584xi32>
    %select_n3A_337 = arith.select %eq3A_336, %select_n3A_324, %select_n3A_323 : vector<8x3584xi1>, vector<8x3584xi32>
    %select_n3A_338 = arith.select %eq3A_336, %select_n3A_325, %select_n3A_324 : vector<8x3584xi1>, vector<8x3584xi32>
    %select_n3A_339 = arith.select %eq3A_336, %select_n3A_326, %select_n3A_325 : vector<8x3584xi1>, vector<8x3584xi32>
    %select_n3A_340 = arith.select %eq3A_336, %broadcast_in_dim3A_284, %select_n3A_326 : vector<8x3584xi1>, vector<8x3584xi32>
    %roll3A_341 = arith.constant 4 : i32
    %roll3A_342 = tpu.dynamic_rotate %select_n3A_337 by %roll3A_341 dim 0 : vector<8x3584xi32>, i32 -> vector<8x3584xi32>
    %max3A_343 = arith.maxsi %select_n3A_337, %roll3A_342 : vector<8x3584xi32>
    %roll3A_344 = arith.constant 2 : i32
    %roll3A_345 = tpu.dynamic_rotate %max3A_343 by %roll3A_344 dim 0 : vector<8x3584xi32>, i32 -> vector<8x3584xi32>
    %max3A_346 = arith.maxsi %max3A_343, %roll3A_345 : vector<8x3584xi32>
    %roll3A_347 = arith.constant 1 : i32
    %roll3A_348 = tpu.dynamic_rotate %max3A_346 by %roll3A_347 dim 0 : vector<8x3584xi32>, i32 -> vector<8x3584xi32>
    %max3A_349 = arith.maxsi %max3A_346, %roll3A_348 : vector<8x3584xi32>
    %eq3A_350 = arith.cmpi eq, %select_n3A_337, %max3A_349 : vector<8x3584xi32>
    %select_n3A_351 = arith.select %eq3A_350, %select_n3A_338, %select_n3A_337 : vector<8x3584xi1>, vector<8x3584xi32>
    %select_n3A_352 = arith.select %eq3A_350, %select_n3A_339, %select_n3A_338 : vector<8x3584xi1>, vector<8x3584xi32>
    %select_n3A_353 = arith.select %eq3A_350, %select_n3A_340, %select_n3A_339 : vector<8x3584xi1>, vector<8x3584xi32>
    %roll3A_354 = arith.constant 4 : i32
    %roll3A_355 = tpu.dynamic_rotate %select_n3A_351 by %roll3A_354 dim 0 : vector<8x3584xi32>, i32 -> vector<8x3584xi32>
    %max3A_356 = arith.maxsi %select_n3A_351, %roll3A_355 : vector<8x3584xi32>
    %roll3A_357 = arith.constant 2 : i32
    %roll3A_358 = tpu.dynamic_rotate %max3A_356 by %roll3A_357 dim 0 : vector<8x3584xi32>, i32 -> vector<8x3584xi32>
    %max3A_359 = arith.maxsi %max3A_356, %roll3A_358 : vector<8x3584xi32>
    %roll3A_360 = arith.constant 1 : i32
    %roll3A_361 = tpu.dynamic_rotate %max3A_359 by %roll3A_360 dim 0 : vector<8x3584xi32>, i32 -> vector<8x3584xi32>
    %max3A_362 = arith.maxsi %max3A_359, %roll3A_361 : vector<8x3584xi32>
    %eq3A_363 = arith.cmpi eq, %select_n3A_351, %max3A_362 : vector<8x3584xi32>
    %select_n3A_364 = arith.select %eq3A_363, %select_n3A_352, %select_n3A_351 : vector<8x3584xi1>, vector<8x3584xi32>
    %select_n3A_365 = arith.select %eq3A_363, %select_n3A_353, %select_n3A_352 : vector<8x3584xi1>, vector<8x3584xi32>
    %roll3A_366 = arith.constant 4 : i32
    %roll3A_367 = tpu.dynamic_rotate %select_n3A_364 by %roll3A_366 dim 0 : vector<8x3584xi32>, i32 -> vector<8x3584xi32>
    %max3A_368 = arith.maxsi %select_n3A_364, %roll3A_367 : vector<8x3584xi32>
    %roll3A_369 = arith.constant 2 : i32
    %roll3A_370 = tpu.dynamic_rotate %max3A_368 by %roll3A_369 dim 0 : vector<8x3584xi32>, i32 -> vector<8x3584xi32>
    %max3A_371 = arith.maxsi %max3A_368, %roll3A_370 : vector<8x3584xi32>
    %roll3A_372 = arith.constant 1 : i32
    %roll3A_373 = tpu.dynamic_rotate %max3A_371 by %roll3A_372 dim 0 : vector<8x3584xi32>, i32 -> vector<8x3584xi32>
    %max3A_374 = arith.maxsi %max3A_371, %roll3A_373 : vector<8x3584xi32>
    %eq3A_375 = arith.cmpi eq, %select_n3A_364, %max3A_374 : vector<8x3584xi32>
    %select_n3A_376 = arith.select %eq3A_375, %select_n3A_365, %select_n3A_364 : vector<8x3584xi1>, vector<8x3584xi32>
    %roll3A_377 = arith.constant 4 : i32
    %roll3A_378 = tpu.dynamic_rotate %select_n3A_376 by %roll3A_377 dim 0 : vector<8x3584xi32>, i32 -> vector<8x3584xi32>
    %max3A_379 = arith.maxsi %select_n3A_376, %roll3A_378 : vector<8x3584xi32>
    %roll3A_380 = arith.constant 2 : i32
    %roll3A_381 = tpu.dynamic_rotate %max3A_379 by %roll3A_380 dim 0 : vector<8x3584xi32>, i32 -> vector<8x3584xi32>
    %max3A_382 = arith.maxsi %max3A_379, %roll3A_381 : vector<8x3584xi32>
    %roll3A_383 = arith.constant 1 : i32
    %roll3A_384 = tpu.dynamic_rotate %max3A_382 by %roll3A_383 dim 0 : vector<8x3584xi32>, i32 -> vector<8x3584xi32>
    %max3A_385 = arith.maxsi %max3A_382, %roll3A_384 : vector<8x3584xi32>
    %ge3A_386 = arith.cmpi sge, %slice3A_269, %max3A_385 : vector<8x3584xi32>
    %slice3A_387 = vector.extract_strided_slice %mul3A_256 {offsets = [0, 0], sizes = [8, 3584], strides = [1, 1]} : vector<32x3584xf32> to vector<8x3584xf32>
    %jit3A_388 = arith.constant 0.000000e+00 : f32
    %broadcast_in_dim3A_389 = vector.broadcast %jit3A_388 : f32 to vector<8x3584xf32>
    %select_n3A_390 = arith.select %ge3A_386, %slice3A_387, %broadcast_in_dim3A_389 : vector<8x3584xi1>, vector<8x3584xf32>
    %ge3A_391 = arith.cmpi sge, %slice3A_270, %max3A_385 : vector<8x3584xi32>
    %slice3A_392 = vector.extract_strided_slice %mul3A_256 {offsets = [8, 0], sizes = [8, 3584], strides = [1, 1]} : vector<32x3584xf32> to vector<8x3584xf32>
    %jit3A_393 = arith.constant 0.000000e+00 : f32
    %broadcast_in_dim3A_394 = vector.broadcast %jit3A_393 : f32 to vector<8x3584xf32>
    %select_n3A_395 = arith.select %ge3A_391, %slice3A_392, %broadcast_in_dim3A_394 : vector<8x3584xi1>, vector<8x3584xf32>
    %ge3A_396 = arith.cmpi sge, %slice3A_271, %max3A_385 : vector<8x3584xi32>
    %slice3A_397 = vector.extract_strided_slice %mul3A_256 {offsets = [16, 0], sizes = [8, 3584], strides = [1, 1]} : vector<32x3584xf32> to vector<8x3584xf32>
    %jit3A_398 = arith.constant 0.000000e+00 : f32
    %broadcast_in_dim3A_399 = vector.broadcast %jit3A_398 : f32 to vector<8x3584xf32>
    %select_n3A_400 = arith.select %ge3A_396, %slice3A_397, %broadcast_in_dim3A_399 : vector<8x3584xi1>, vector<8x3584xf32>
    %ge3A_401 = arith.cmpi sge, %slice3A_272, %max3A_385 : vector<8x3584xi32>
    %slice3A_402 = vector.extract_strided_slice %mul3A_256 {offsets = [24, 0], sizes = [8, 3584], strides = [1, 1]} : vector<32x3584xf32> to vector<8x3584xf32>
    %jit3A_403 = arith.constant 0.000000e+00 : f32
    %broadcast_in_dim3A_404 = vector.broadcast %jit3A_403 : f32 to vector<8x3584xf32>
    %select_n3A_405 = arith.select %ge3A_401, %slice3A_402, %broadcast_in_dim3A_404 : vector<8x3584xi1>, vector<8x3584xf32>
    %concatenate3A_406 = tpu.concatenate %select_n3A_390, %select_n3A_395, %select_n3A_400, %select_n3A_405 in 0 : vector<8x3584xf32>, vector<8x3584xf32>, vector<8x3584xf32>, vector<8x3584xf32> -> vector<32x3584xf32>
    %ne3A_407 = arith.constant 0.000000e+00 : f32
    %ne3A_408 = vector.broadcast %ne3A_407 : f32 to vector<32x3584xf32>
    %ne3A_409 = arith.cmpf one, %concatenate3A_406, %ne3A_408 : vector<32x3584xf32>
    %convert_element_type3A_410 = arith.extui %ne3A_409 : vector<32x3584xi1> to vector<32x3584xi32>
    %convert_element_type3A_411 = arith.sitofp %convert_element_type3A_410 : vector<32x3584xi32> to vector<32x3584xf32>
    %swap3A_412 = arith.constant 0 : index
    %swap3A_413 = arith.constant 24 : index
    %swap3A_414 = arith.constant 0 : index
    %swap3A_415 = vector.load %arg9[%swap3A_412, %swap3A_413, %swap3A_414] : memref<1x120x3584xf32, #tpu.memory_space<vmem>>, vector<1x32x3584xf32>
    %swap3A_416 = vector.shape_cast %swap3A_415 : vector<1x32x3584xf32> to vector<32x3584xf32>
    %swap3A_417 = vector.shape_cast %concatenate3A_406 : vector<32x3584xf32> to vector<1x32x3584xf32>
    tpu.vector_store %arg9[%swap3A_412, %swap3A_413, %swap3A_414], %swap3A_417 {strides = array<i32>} : memref<1x120x3584xf32, #tpu.memory_space<vmem>>, vector<1x32x3584xf32>,
    %slice3A_418 = vector.extract_strided_slice %add3A_116 {offsets = [56, 0], sizes = [64, 3584], strides = [1, 1]} : vector<120x3584xf32> to vector<64x3584xf32>
    %get3A_419 = arith.constant 0 : index
    %get3A_420 = arith.constant 0 : index
    %get3A_421 = vector.load %arg8[%get3A_419, %get3A_420] : memref<64x32xf32, #tpu.memory_space<vmem>>, vector<64x32xf32>
    %dot_general3A_422 = arith.constant dense<0.000000e+00> : vector<64x3584xf32>
    %dot_general3A_423 = tpu.matmul %get3A_421, %convert_element_type3A_411, %dot_general3A_422 {dimension_numbers = #tpu.dot_dimension_numbers<[1], [0], [0], [1], [0, 0, 1, 1], [], []>, transpose_lhs_hint = false} : vector<64x32xf32>, vector<32x3584xf32>, vector<64x3584xf32> -> vector<64x3584xf32>
    %gt3A_424 = arith.constant 0.000000e+00 : f32
    %gt3A_425 = vector.broadcast %gt3A_424 : f32 to vector<64x3584xf32>
    %gt3A_426 = arith.cmpf ogt, %dot_general3A_423, %gt3A_425 : vector<64x3584xf32>
    %convert_element_type3A_427 = arith.extui %gt3A_426 : vector<64x3584xi1> to vector<64x3584xi32>
    %convert_element_type3A_428 = arith.sitofp %convert_element_type3A_427 : vector<64x3584xi32> to vector<64x3584xf32>
    %mul3A_429 = arith.mulf %slice3A_418, %convert_element_type3A_428 : vector<64x3584xf32>
    %bitcast_convert_type3A_430 = tpu.bitcast %mul3A_429 : vector<64x3584xf32> -> vector<64x3584xi32>
    %and3A_431 = arith.constant 2147483647 : i32
    %and3A_432 = vector.broadcast %and3A_431 : i32 to vector<64x3584xi32>
    %and3A_433 = arith.andi %bitcast_convert_type3A_430, %and3A_432 : vector<64x3584xi32>
    %iota3A_434 = tpu.iota {dimensions = array<i32: 0>} : vector<64x3584xi32>
    %and3A_435 = arith.constant -64 : i32
    %and3A_436 = vector.broadcast %and3A_435 : i32 to vector<64x3584xi32>
    %and3A_437 = arith.andi %and3A_433, %and3A_436 : vector<64x3584xi32>
    %sub3A_438 = arith.constant 63 : i32
    %sub3A_439 = vector.broadcast %sub3A_438 : i32 to vector<64x3584xi32>
    %sub3A_440 = arith.subi %sub3A_439, %iota3A_434 : vector<64x3584xi32>
    %or3A_441 = arith.ori %and3A_437, %sub3A_440 : vector<64x3584xi32>
    %slice3A_442 = vector.extract_strided_slice %or3A_441 {offsets = [0, 0], sizes = [8, 3584], strides = [1, 1]} : vector<64x3584xi32> to vector<8x3584xi32>
    %slice3A_443 = vector.extract_strided_slice %or3A_441 {offsets = [8, 0], sizes = [8, 3584], strides = [1, 1]} : vector<64x3584xi32> to vector<8x3584xi32>
    %slice3A_444 = vector.extract_strided_slice %or3A_441 {offsets = [16, 0], sizes = [8, 3584], strides = [1, 1]} : vector<64x3584xi32> to vector<8x3584xi32>
    %slice3A_445 = vector.extract_strided_slice %or3A_441 {offsets = [24, 0], sizes = [8, 3584], strides = [1, 1]} : vector<64x3584xi32> to vector<8x3584xi32>
    %slice3A_446 = vector.extract_strided_slice %or3A_441 {offsets = [32, 0], sizes = [8, 3584], strides = [1, 1]} : vector<64x3584xi32> to vector<8x3584xi32>
    %slice3A_447 = vector.extract_strided_slice %or3A_441 {offsets = [40, 0], sizes = [8, 3584], strides = [1, 1]} : vector<64x3584xi32> to vector<8x3584xi32>
    %slice3A_448 = vector.extract_strided_slice %or3A_441 {offsets = [48, 0], sizes = [8, 3584], strides = [1, 1]} : vector<64x3584xi32> to vector<8x3584xi32>
    %slice3A_449 = vector.extract_strided_slice %or3A_441 {offsets = [56, 0], sizes = [8, 3584], strides = [1, 1]} : vector<64x3584xi32> to vector<8x3584xi32>
    %max3A_450 = arith.maxsi %slice3A_442, %slice3A_443 : vector<8x3584xi32>
    %min3A_451 = arith.minsi %slice3A_442, %slice3A_443 : vector<8x3584xi32>
    %max3A_452 = arith.maxsi %slice3A_444, %slice3A_445 : vector<8x3584xi32>
    %min3A_453 = arith.minsi %slice3A_444, %slice3A_445 : vector<8x3584xi32>
    %max3A_454 = arith.maxsi %slice3A_446, %slice3A_447 : vector<8x3584xi32>
    %min3A_455 = arith.minsi %slice3A_446, %slice3A_447 : vector<8x3584xi32>
    %max3A_456 = arith.maxsi %slice3A_448, %slice3A_449 : vector<8x3584xi32>
    %min3A_457 = arith.minsi %slice3A_448, %slice3A_449 : vector<8x3584xi32>
    %max3A_458 = arith.maxsi %max3A_450, %max3A_452 : vector<8x3584xi32>
    %min3A_459 = arith.minsi %max3A_450, %max3A_452 : vector<8x3584xi32>
    %max3A_460 = arith.maxsi %min3A_451, %min3A_453 : vector<8x3584xi32>
    %min3A_461 = arith.minsi %min3A_451, %min3A_453 : vector<8x3584xi32>
    %max3A_462 = arith.maxsi %max3A_454, %max3A_456 : vector<8x3584xi32>
    %min3A_463 = arith.minsi %max3A_454, %max3A_456 : vector<8x3584xi32>
    %max3A_464 = arith.maxsi %min3A_455, %min3A_457 : vector<8x3584xi32>
    %min3A_465 = arith.minsi %min3A_455, %min3A_457 : vector<8x3584xi32>
    %max3A_466 = arith.maxsi %max3A_460, %min3A_459 : vector<8x3584xi32>
    %min3A_467 = arith.minsi %max3A_460, %min3A_459 : vector<8x3584xi32>
    %max3A_468 = arith.maxsi %max3A_464, %min3A_463 : vector<8x3584xi32>
    %min3A_469 = arith.minsi %max3A_464, %min3A_463 : vector<8x3584xi32>
    %max3A_470 = arith.maxsi %max3A_458, %max3A_462 : vector<8x3584xi32>
    %min3A_471 = arith.minsi %max3A_458, %max3A_462 : vector<8x3584xi32>
    %max3A_472 = arith.maxsi %max3A_466, %max3A_468 : vector<8x3584xi32>
    %min3A_473 = arith.minsi %max3A_466, %max3A_468 : vector<8x3584xi32>
    %max3A_474 = arith.maxsi %min3A_467, %min3A_469 : vector<8x3584xi32>
    %min3A_475 = arith.minsi %min3A_467, %min3A_469 : vector<8x3584xi32>
    %max3A_476 = arith.maxsi %min3A_461, %min3A_465 : vector<8x3584xi32>
    %min3A_477 = arith.minsi %min3A_461, %min3A_465 : vector<8x3584xi32>
    %max3A_478 = arith.maxsi %max3A_474, %min3A_471 : vector<8x3584xi32>
    %min3A_479 = arith.minsi %max3A_474, %min3A_471 : vector<8x3584xi32>
    %max3A_480 = arith.maxsi %max3A_476, %min3A_473 : vector<8x3584xi32>
    %min3A_481 = arith.minsi %max3A_476, %min3A_473 : vector<8x3584xi32>
    %max3A_482 = arith.maxsi %max3A_472, %max3A_478 : vector<8x3584xi32>
    %min3A_483 = arith.minsi %max3A_472, %max3A_478 : vector<8x3584xi32>
    %max3A_484 = arith.maxsi %max3A_480, %min3A_479 : vector<8x3584xi32>
    %min3A_485 = arith.minsi %max3A_480, %min3A_479 : vector<8x3584xi32>
    %max3A_486 = arith.maxsi %min3A_481, %min3A_475 : vector<8x3584xi32>
    %min3A_487 = arith.minsi %min3A_481, %min3A_475 : vector<8x3584xi32>
    %broadcast_in_dim3A_488 = arith.constant -2147483648 : i32
    %broadcast_in_dim3A_489 = vector.broadcast %broadcast_in_dim3A_488 : i32 to vector<8x3584xi32>
    %roll3A_490 = arith.constant 4 : i32
    %roll3A_491 = tpu.dynamic_rotate %max3A_470 by %roll3A_490 dim 0 : vector<8x3584xi32>, i32 -> vector<8x3584xi32>
    %max3A_492 = arith.maxsi %max3A_470, %roll3A_491 : vector<8x3584xi32>
    %roll3A_493 = arith.constant 2 : i32
    %roll3A_494 = tpu.dynamic_rotate %max3A_492 by %roll3A_493 dim 0 : vector<8x3584xi32>, i32 -> vector<8x3584xi32>
    %max3A_495 = arith.maxsi %max3A_492, %roll3A_494 : vector<8x3584xi32>
    %roll3A_496 = arith.constant 1 : i32
    %roll3A_497 = tpu.dynamic_rotate %max3A_495 by %roll3A_496 dim 0 : vector<8x3584xi32>, i32 -> vector<8x3584xi32>
    %max3A_498 = arith.maxsi %max3A_495, %roll3A_497 : vector<8x3584xi32>
    %eq3A_499 = arith.cmpi eq, %max3A_470, %max3A_498 : vector<8x3584xi32>
    %select_n3A_500 = arith.select %eq3A_499, %max3A_482, %max3A_470 : vector<8x3584xi1>, vector<8x3584xi32>
    %select_n3A_501 = arith.select %eq3A_499, %min3A_483, %max3A_482 : vector<8x3584xi1>, vector<8x3584xi32>
    %select_n3A_502 = arith.select %eq3A_499, %max3A_484, %min3A_483 : vector<8x3584xi1>, vector<8x3584xi32>
    %select_n3A_503 = arith.select %eq3A_499, %min3A_485, %max3A_484 : vector<8x3584xi1>, vector<8x3584xi32>
    %select_n3A_504 = arith.select %eq3A_499, %max3A_486, %min3A_485 : vector<8x3584xi1>, vector<8x3584xi32>
    %select_n3A_505 = arith.select %eq3A_499, %min3A_487, %max3A_486 : vector<8x3584xi1>, vector<8x3584xi32>
    %select_n3A_506 = arith.select %eq3A_499, %min3A_477, %min3A_487 : vector<8x3584xi1>, vector<8x3584xi32>
    %select_n3A_507 = arith.select %eq3A_499, %broadcast_in_dim3A_489, %min3A_477 : vector<8x3584xi1>, vector<8x3584xi32>
    %roll3A_508 = arith.constant 4 : i32
    %roll3A_509 = tpu.dynamic_rotate %select_n3A_500 by %roll3A_508 dim 0 : vector<8x3584xi32>, i32 -> vector<8x3584xi32>
    %max3A_510 = arith.maxsi %select_n3A_500, %roll3A_509 : vector<8x3584xi32>
    %roll3A_511 = arith.constant 2 : i32
    %roll3A_512 = tpu.dynamic_rotate %max3A_510 by %roll3A_511 dim 0 : vector<8x3584xi32>, i32 -> vector<8x3584xi32>
    %max3A_513 = arith.maxsi %max3A_510, %roll3A_512 : vector<8x3584xi32>
    %roll3A_514 = arith.constant 1 : i32
    %roll3A_515 = tpu.dynamic_rotate %max3A_513 by %roll3A_514 dim 0 : vector<8x3584xi32>, i32 -> vector<8x3584xi32>
    %max3A_516 = arith.maxsi %max3A_513, %roll3A_515 : vector<8x3584xi32>
    %eq3A_517 = arith.cmpi eq, %select_n3A_500, %max3A_516 : vector<8x3584xi32>
    %select_n3A_518 = arith.select %eq3A_517, %select_n3A_501, %select_n3A_500 : vector<8x3584xi1>, vector<8x3584xi32>
    %select_n3A_519 = arith.select %eq3A_517, %select_n3A_502, %select_n3A_501 : vector<8x3584xi1>, vector<8x3584xi32>
    %select_n3A_520 = arith.select %eq3A_517, %select_n3A_503, %select_n3A_502 : vector<8x3584xi1>, vector<8x3584xi32>
    %select_n3A_521 = arith.select %eq3A_517, %select_n3A_504, %select_n3A_503 : vector<8x3584xi1>, vector<8x3584xi32>
    %select_n3A_522 = arith.select %eq3A_517, %select_n3A_505, %select_n3A_504 : vector<8x3584xi1>, vector<8x3584xi32>
    %select_n3A_523 = arith.select %eq3A_517, %select_n3A_506, %select_n3A_505 : vector<8x3584xi1>, vector<8x3584xi32>
    %select_n3A_524 = arith.select %eq3A_517, %select_n3A_507, %select_n3A_506 : vector<8x3584xi1>, vector<8x3584xi32>
    %select_n3A_525 = arith.select %eq3A_517, %broadcast_in_dim3A_489, %select_n3A_507 : vector<8x3584xi1>, vector<8x3584xi32>
    %roll3A_526 = arith.constant 4 : i32
    %roll3A_527 = tpu.dynamic_rotate %select_n3A_518 by %roll3A_526 dim 0 : vector<8x3584xi32>, i32 -> vector<8x3584xi32>
    %max3A_528 = arith.maxsi %select_n3A_518, %roll3A_527 : vector<8x3584xi32>
    %roll3A_529 = arith.constant 2 : i32
    %roll3A_530 = tpu.dynamic_rotate %max3A_528 by %roll3A_529 dim 0 : vector<8x3584xi32>, i32 -> vector<8x3584xi32>
    %max3A_531 = arith.maxsi %max3A_528, %roll3A_530 : vector<8x3584xi32>
    %roll3A_532 = arith.constant 1 : i32
    %roll3A_533 = tpu.dynamic_rotate %max3A_531 by %roll3A_532 dim 0 : vector<8x3584xi32>, i32 -> vector<8x3584xi32>
    %max3A_534 = arith.maxsi %max3A_531, %roll3A_533 : vector<8x3584xi32>
    %eq3A_535 = arith.cmpi eq, %select_n3A_518, %max3A_534 : vector<8x3584xi32>
    %select_n3A_536 = arith.select %eq3A_535, %select_n3A_519, %select_n3A_518 : vector<8x3584xi1>, vector<8x3584xi32>
    %select_n3A_537 = arith.select %eq3A_535, %select_n3A_520, %select_n3A_519 : vector<8x3584xi1>, vector<8x3584xi32>
    %select_n3A_538 = arith.select %eq3A_535, %select_n3A_521, %select_n3A_520 : vector<8x3584xi1>, vector<8x3584xi32>
    %select_n3A_539 = arith.select %eq3A_535, %select_n3A_522, %select_n3A_521 : vector<8x3584xi1>, vector<8x3584xi32>
    %select_n3A_540 = arith.select %eq3A_535, %select_n3A_523, %select_n3A_522 : vector<8x3584xi1>, vector<8x3584xi32>
    %select_n3A_541 = arith.select %eq3A_535, %select_n3A_524, %select_n3A_523 : vector<8x3584xi1>, vector<8x3584xi32>
    %select_n3A_542 = arith.select %eq3A_535, %select_n3A_525, %select_n3A_524 : vector<8x3584xi1>, vector<8x3584xi32>
    %select_n3A_543 = arith.select %eq3A_535, %broadcast_in_dim3A_489, %select_n3A_525 : vector<8x3584xi1>, vector<8x3584xi32>
    %roll3A_544 = arith.constant 4 : i32
    %roll3A_545 = tpu.dynamic_rotate %select_n3A_536 by %roll3A_544 dim 0 : vector<8x3584xi32>, i32 -> vector<8x3584xi32>
    %max3A_546 = arith.maxsi %select_n3A_536, %roll3A_545 : vector<8x3584xi32>
    %roll3A_547 = arith.constant 2 : i32
    %roll3A_548 = tpu.dynamic_rotate %max3A_546 by %roll3A_547 dim 0 : vector<8x3584xi32>, i32 -> vector<8x3584xi32>
    %max3A_549 = arith.maxsi %max3A_546, %roll3A_548 : vector<8x3584xi32>
    %roll3A_550 = arith.constant 1 : i32
    %roll3A_551 = tpu.dynamic_rotate %max3A_549 by %roll3A_550 dim 0 : vector<8x3584xi32>, i32 -> vector<8x3584xi32>
    %max3A_552 = arith.maxsi %max3A_549, %roll3A_551 : vector<8x3584xi32>
    %eq3A_553 = arith.cmpi eq, %select_n3A_536, %max3A_552 : vector<8x3584xi32>
    %select_n3A_554 = arith.select %eq3A_553, %select_n3A_537, %select_n3A_536 : vector<8x3584xi1>, vector<8x3584xi32>
    %select_n3A_555 = arith.select %eq3A_553, %select_n3A_538, %select_n3A_537 : vector<8x3584xi1>, vector<8x3584xi32>
    %select_n3A_556 = arith.select %eq3A_553, %select_n3A_539, %select_n3A_538 : vector<8x3584xi1>, vector<8x3584xi32>
    %select_n3A_557 = arith.select %eq3A_553, %select_n3A_540, %select_n3A_539 : vector<8x3584xi1>, vector<8x3584xi32>
    %select_n3A_558 = arith.select %eq3A_553, %select_n3A_541, %select_n3A_540 : vector<8x3584xi1>, vector<8x3584xi32>
    %select_n3A_559 = arith.select %eq3A_553, %select_n3A_542, %select_n3A_541 : vector<8x3584xi1>, vector<8x3584xi32>
    %select_n3A_560 = arith.select %eq3A_553, %select_n3A_543, %select_n3A_542 : vector<8x3584xi1>, vector<8x3584xi32>
    %select_n3A_561 = arith.select %eq3A_553, %broadcast_in_dim3A_489, %select_n3A_543 : vector<8x3584xi1>, vector<8x3584xi32>
    %roll3A_562 = arith.constant 4 : i32
    %roll3A_563 = tpu.dynamic_rotate %select_n3A_554 by %roll3A_562 dim 0 : vector<8x3584xi32>, i32 -> vector<8x3584xi32>
    %max3A_564 = arith.maxsi %select_n3A_554, %roll3A_563 : vector<8x3584xi32>
    %roll3A_565 = arith.constant 2 : i32
    %roll3A_566 = tpu.dynamic_rotate %max3A_564 by %roll3A_565 dim 0 : vector<8x3584xi32>, i32 -> vector<8x3584xi32>
    %max3A_567 = arith.maxsi %max3A_564, %roll3A_566 : vector<8x3584xi32>
    %roll3A_568 = arith.constant 1 : i32
    %roll3A_569 = tpu.dynamic_rotate %max3A_567 by %roll3A_568 dim 0 : vector<8x3584xi32>, i32 -> vector<8x3584xi32>
    %max3A_570 = arith.maxsi %max3A_567, %roll3A_569 : vector<8x3584xi32>
    %eq3A_571 = arith.cmpi eq, %select_n3A_554, %max3A_570 : vector<8x3584xi32>
    %select_n3A_572 = arith.select %eq3A_571, %select_n3A_555, %select_n3A_554 : vector<8x3584xi1>, vector<8x3584xi32>
    %select_n3A_573 = arith.select %eq3A_571, %select_n3A_556, %select_n3A_555 : vector<8x3584xi1>, vector<8x3584xi32>
    %select_n3A_574 = arith.select %eq3A_571, %select_n3A_557, %select_n3A_556 : vector<8x3584xi1>, vector<8x3584xi32>
    %select_n3A_575 = arith.select %eq3A_571, %select_n3A_558, %select_n3A_557 : vector<8x3584xi1>, vector<8x3584xi32>
    %select_n3A_576 = arith.select %eq3A_571, %select_n3A_559, %select_n3A_558 : vector<8x3584xi1>, vector<8x3584xi32>
    %select_n3A_577 = arith.select %eq3A_571, %select_n3A_560, %select_n3A_559 : vector<8x3584xi1>, vector<8x3584xi32>
    %select_n3A_578 = arith.select %eq3A_571, %select_n3A_561, %select_n3A_560 : vector<8x3584xi1>, vector<8x3584xi32>
    %select_n3A_579 = arith.select %eq3A_571, %broadcast_in_dim3A_489, %select_n3A_561 : vector<8x3584xi1>, vector<8x3584xi32>
    %roll3A_580 = arith.constant 4 : i32
    %roll3A_581 = tpu.dynamic_rotate %select_n3A_572 by %roll3A_580 dim 0 : vector<8x3584xi32>, i32 -> vector<8x3584xi32>
    %max3A_582 = arith.maxsi %select_n3A_572, %roll3A_581 : vector<8x3584xi32>
    %roll3A_583 = arith.constant 2 : i32
    %roll3A_584 = tpu.dynamic_rotate %max3A_582 by %roll3A_583 dim 0 : vector<8x3584xi32>, i32 -> vector<8x3584xi32>
    %max3A_585 = arith.maxsi %max3A_582, %roll3A_584 : vector<8x3584xi32>
    %roll3A_586 = arith.constant 1 : i32
    %roll3A_587 = tpu.dynamic_rotate %max3A_585 by %roll3A_586 dim 0 : vector<8x3584xi32>, i32 -> vector<8x3584xi32>
    %max3A_588 = arith.maxsi %max3A_585, %roll3A_587 : vector<8x3584xi32>
    %eq3A_589 = arith.cmpi eq, %select_n3A_572, %max3A_588 : vector<8x3584xi32>
    %select_n3A_590 = arith.select %eq3A_589, %select_n3A_573, %select_n3A_572 : vector<8x3584xi1>, vector<8x3584xi32>
    %select_n3A_591 = arith.select %eq3A_589, %select_n3A_574, %select_n3A_573 : vector<8x3584xi1>, vector<8x3584xi32>
    %select_n3A_592 = arith.select %eq3A_589, %select_n3A_575, %select_n3A_574 : vector<8x3584xi1>, vector<8x3584xi32>
    %select_n3A_593 = arith.select %eq3A_589, %select_n3A_576, %select_n3A_575 : vector<8x3584xi1>, vector<8x3584xi32>
    %select_n3A_594 = arith.select %eq3A_589, %select_n3A_577, %select_n3A_576 : vector<8x3584xi1>, vector<8x3584xi32>
    %select_n3A_595 = arith.select %eq3A_589, %select_n3A_578, %select_n3A_577 : vector<8x3584xi1>, vector<8x3584xi32>
    %select_n3A_596 = arith.select %eq3A_589, %select_n3A_579, %select_n3A_578 : vector<8x3584xi1>, vector<8x3584xi32>
    %select_n3A_597 = arith.select %eq3A_589, %broadcast_in_dim3A_489, %select_n3A_579 : vector<8x3584xi1>, vector<8x3584xi32>
    %roll3A_598 = arith.constant 4 : i32
    %roll3A_599 = tpu.dynamic_rotate %select_n3A_590 by %roll3A_598 dim 0 : vector<8x3584xi32>, i32 -> vector<8x3584xi32>
    %max3A_600 = arith.maxsi %select_n3A_590, %roll3A_599 : vector<8x3584xi32>
    %roll3A_601 = arith.constant 2 : i32
    %roll3A_602 = tpu.dynamic_rotate %max3A_600 by %roll3A_601 dim 0 : vector<8x3584xi32>, i32 -> vector<8x3584xi32>
    %max3A_603 = arith.maxsi %max3A_600, %roll3A_602 : vector<8x3584xi32>
    %roll3A_604 = arith.constant 1 : i32
    %roll3A_605 = tpu.dynamic_rotate %max3A_603 by %roll3A_604 dim 0 : vector<8x3584xi32>, i32 -> vector<8x3584xi32>
    %max3A_606 = arith.maxsi %max3A_603, %roll3A_605 : vector<8x3584xi32>
    %eq3A_607 = arith.cmpi eq, %select_n3A_590, %max3A_606 : vector<8x3584xi32>
    %select_n3A_608 = arith.select %eq3A_607, %select_n3A_591, %select_n3A_590 : vector<8x3584xi1>, vector<8x3584xi32>
    %select_n3A_609 = arith.select %eq3A_607, %select_n3A_592, %select_n3A_591 : vector<8x3584xi1>, vector<8x3584xi32>
    %select_n3A_610 = arith.select %eq3A_607, %select_n3A_593, %select_n3A_592 : vector<8x3584xi1>, vector<8x3584xi32>
    %select_n3A_611 = arith.select %eq3A_607, %select_n3A_594, %select_n3A_593 : vector<8x3584xi1>, vector<8x3584xi32>
    %select_n3A_612 = arith.select %eq3A_607, %select_n3A_595, %select_n3A_594 : vector<8x3584xi1>, vector<8x3584xi32>
    %select_n3A_613 = arith.select %eq3A_607, %select_n3A_596, %select_n3A_595 : vector<8x3584xi1>, vector<8x3584xi32>
    %select_n3A_614 = arith.select %eq3A_607, %select_n3A_597, %select_n3A_596 : vector<8x3584xi1>, vector<8x3584xi32>
    %select_n3A_615 = arith.select %eq3A_607, %broadcast_in_dim3A_489, %select_n3A_597 : vector<8x3584xi1>, vector<8x3584xi32>
    %roll3A_616 = arith.constant 4 : i32
    %roll3A_617 = tpu.dynamic_rotate %select_n3A_608 by %roll3A_616 dim 0 : vector<8x3584xi32>, i32 -> vector<8x3584xi32>
    %max3A_618 = arith.maxsi %select_n3A_608, %roll3A_617 : vector<8x3584xi32>
    %roll3A_619 = arith.constant 2 : i32
    %roll3A_620 = tpu.dynamic_rotate %max3A_618 by %roll3A_619 dim 0 : vector<8x3584xi32>, i32 -> vector<8x3584xi32>
    %max3A_621 = arith.maxsi %max3A_618, %roll3A_620 : vector<8x3584xi32>
    %roll3A_622 = arith.constant 1 : i32
    %roll3A_623 = tpu.dynamic_rotate %max3A_621 by %roll3A_622 dim 0 : vector<8x3584xi32>, i32 -> vector<8x3584xi32>
    %max3A_624 = arith.maxsi %max3A_621, %roll3A_623 : vector<8x3584xi32>
    %eq3A_625 = arith.cmpi eq, %select_n3A_608, %max3A_624 : vector<8x3584xi32>
    %select_n3A_626 = arith.select %eq3A_625, %select_n3A_609, %select_n3A_608 : vector<8x3584xi1>, vector<8x3584xi32>
    %select_n3A_627 = arith.select %eq3A_625, %select_n3A_610, %select_n3A_609 : vector<8x3584xi1>, vector<8x3584xi32>
    %select_n3A_628 = arith.select %eq3A_625, %select_n3A_611, %select_n3A_610 : vector<8x3584xi1>, vector<8x3584xi32>
    %select_n3A_629 = arith.select %eq3A_625, %select_n3A_612, %select_n3A_611 : vector<8x3584xi1>, vector<8x3584xi32>
    %select_n3A_630 = arith.select %eq3A_625, %select_n3A_613, %select_n3A_612 : vector<8x3584xi1>, vector<8x3584xi32>
    %select_n3A_631 = arith.select %eq3A_625, %select_n3A_614, %select_n3A_613 : vector<8x3584xi1>, vector<8x3584xi32>
    %select_n3A_632 = arith.select %eq3A_625, %select_n3A_615, %select_n3A_614 : vector<8x3584xi1>, vector<8x3584xi32>
    %select_n3A_633 = arith.select %eq3A_625, %broadcast_in_dim3A_489, %select_n3A_615 : vector<8x3584xi1>, vector<8x3584xi32>
    %roll3A_634 = arith.constant 4 : i32
    %roll3A_635 = tpu.dynamic_rotate %select_n3A_626 by %roll3A_634 dim 0 : vector<8x3584xi32>, i32 -> vector<8x3584xi32>
    %max3A_636 = arith.maxsi %select_n3A_626, %roll3A_635 : vector<8x3584xi32>
    %roll3A_637 = arith.constant 2 : i32
    %roll3A_638 = tpu.dynamic_rotate %max3A_636 by %roll3A_637 dim 0 : vector<8x3584xi32>, i32 -> vector<8x3584xi32>
    %max3A_639 = arith.maxsi %max3A_636, %roll3A_638 : vector<8x3584xi32>
    %roll3A_640 = arith.constant 1 : i32
    %roll3A_641 = tpu.dynamic_rotate %max3A_639 by %roll3A_640 dim 0 : vector<8x3584xi32>, i32 -> vector<8x3584xi32>
    %max3A_642 = arith.maxsi %max3A_639, %roll3A_641 : vector<8x3584xi32>
    %eq3A_643 = arith.cmpi eq, %select_n3A_626, %max3A_642 : vector<8x3584xi32>
    %select_n3A_644 = arith.select %eq3A_643, %select_n3A_627, %select_n3A_626 : vector<8x3584xi1>, vector<8x3584xi32>
    %select_n3A_645 = arith.select %eq3A_643, %select_n3A_628, %select_n3A_627 : vector<8x3584xi1>, vector<8x3584xi32>
    %select_n3A_646 = arith.select %eq3A_643, %select_n3A_629, %select_n3A_628 : vector<8x3584xi1>, vector<8x3584xi32>
    %select_n3A_647 = arith.select %eq3A_643, %select_n3A_630, %select_n3A_629 : vector<8x3584xi1>, vector<8x3584xi32>
    %select_n3A_648 = arith.select %eq3A_643, %select_n3A_631, %select_n3A_630 : vector<8x3584xi1>, vector<8x3584xi32>
    %select_n3A_649 = arith.select %eq3A_643, %select_n3A_632, %select_n3A_631 : vector<8x3584xi1>, vector<8x3584xi32>
    %select_n3A_650 = arith.select %eq3A_643, %select_n3A_633, %select_n3A_632 : vector<8x3584xi1>, vector<8x3584xi32>
    %roll3A_651 = arith.constant 4 : i32
    %roll3A_652 = tpu.dynamic_rotate %select_n3A_644 by %roll3A_651 dim 0 : vector<8x3584xi32>, i32 -> vector<8x3584xi32>
    %max3A_653 = arith.maxsi %select_n3A_644, %roll3A_652 : vector<8x3584xi32>
    %roll3A_654 = arith.constant 2 : i32
    %roll3A_655 = tpu.dynamic_rotate %max3A_653 by %roll3A_654 dim 0 : vector<8x3584xi32>, i32 -> vector<8x3584xi32>
    %max3A_656 = arith.maxsi %max3A_653, %roll3A_655 : vector<8x3584xi32>
    %roll3A_657 = arith.constant 1 : i32
    %roll3A_658 = tpu.dynamic_rotate %max3A_656 by %roll3A_657 dim 0 : vector<8x3584xi32>, i32 -> vector<8x3584xi32>
    %max3A_659 = arith.maxsi %max3A_656, %roll3A_658 : vector<8x3584xi32>
    %eq3A_660 = arith.cmpi eq, %select_n3A_644, %max3A_659 : vector<8x3584xi32>
    %select_n3A_661 = arith.select %eq3A_660, %select_n3A_645, %select_n3A_644 : vector<8x3584xi1>, vector<8x3584xi32>
    %select_n3A_662 = arith.select %eq3A_660, %select_n3A_646, %select_n3A_645 : vector<8x3584xi1>, vector<8x3584xi32>
    %select_n3A_663 = arith.select %eq3A_660, %select_n3A_647, %select_n3A_646 : vector<8x3584xi1>, vector<8x3584xi32>
    %select_n3A_664 = arith.select %eq3A_660, %select_n3A_648, %select_n3A_647 : vector<8x3584xi1>, vector<8x3584xi32>
    %select_n3A_665 = arith.select %eq3A_660, %select_n3A_649, %select_n3A_648 : vector<8x3584xi1>, vector<8x3584xi32>
    %select_n3A_666 = arith.select %eq3A_660, %select_n3A_650, %select_n3A_649 : vector<8x3584xi1>, vector<8x3584xi32>
    %roll3A_667 = arith.constant 4 : i32
    %roll3A_668 = tpu.dynamic_rotate %select_n3A_661 by %roll3A_667 dim 0 : vector<8x3584xi32>, i32 -> vector<8x3584xi32>
    %max3A_669 = arith.maxsi %select_n3A_661, %roll3A_668 : vector<8x3584xi32>
    %roll3A_670 = arith.constant 2 : i32
    %roll3A_671 = tpu.dynamic_rotate %max3A_669 by %roll3A_670 dim 0 : vector<8x3584xi32>, i32 -> vector<8x3584xi32>
    %max3A_672 = arith.maxsi %max3A_669, %roll3A_671 : vector<8x3584xi32>
    %roll3A_673 = arith.constant 1 : i32
    %roll3A_674 = tpu.dynamic_rotate %max3A_672 by %roll3A_673 dim 0 : vector<8x3584xi32>, i32 -> vector<8x3584xi32>
    %max3A_675 = arith.maxsi %max3A_672, %roll3A_674 : vector<8x3584xi32>
    %eq3A_676 = arith.cmpi eq, %select_n3A_661, %max3A_675 : vector<8x3584xi32>
    %select_n3A_677 = arith.select %eq3A_676, %select_n3A_662, %select_n3A_661 : vector<8x3584xi1>, vector<8x3584xi32>
    %select_n3A_678 = arith.select %eq3A_676, %select_n3A_663, %select_n3A_662 : vector<8x3584xi1>, vector<8x3584xi32>
    %select_n3A_679 = arith.select %eq3A_676, %select_n3A_664, %select_n3A_663 : vector<8x3584xi1>, vector<8x3584xi32>
    %select_n3A_680 = arith.select %eq3A_676, %select_n3A_665, %select_n3A_664 : vector<8x3584xi1>, vector<8x3584xi32>
    %select_n3A_681 = arith.select %eq3A_676, %select_n3A_666, %select_n3A_665 : vector<8x3584xi1>, vector<8x3584xi32>
    %roll3A_682 = arith.constant 4 : i32
    %roll3A_683 = tpu.dynamic_rotate %select_n3A_677 by %roll3A_682 dim 0 : vector<8x3584xi32>, i32 -> vector<8x3584xi32>
    %max3A_684 = arith.maxsi %select_n3A_677, %roll3A_683 : vector<8x3584xi32>
    %roll3A_685 = arith.constant 2 : i32
    %roll3A_686 = tpu.dynamic_rotate %max3A_684 by %roll3A_685 dim 0 : vector<8x3584xi32>, i32 -> vector<8x3584xi32>
    %max3A_687 = arith.maxsi %max3A_684, %roll3A_686 : vector<8x3584xi32>
    %roll3A_688 = arith.constant 1 : i32
    %roll3A_689 = tpu.dynamic_rotate %max3A_687 by %roll3A_688 dim 0 : vector<8x3584xi32>, i32 -> vector<8x3584xi32>
    %max3A_690 = arith.maxsi %max3A_687, %roll3A_689 : vector<8x3584xi32>
    %eq3A_691 = arith.cmpi eq, %select_n3A_677, %max3A_690 : vector<8x3584xi32>
    %select_n3A_692 = arith.select %eq3A_691, %select_n3A_678, %select_n3A_677 : vector<8x3584xi1>, vector<8x3584xi32>
    %select_n3A_693 = arith.select %eq3A_691, %select_n3A_679, %select_n3A_678 : vector<8x3584xi1>, vector<8x3584xi32>
    %select_n3A_694 = arith.select %eq3A_691, %select_n3A_680, %select_n3A_679 : vector<8x3584xi1>, vector<8x3584xi32>
    %select_n3A_695 = arith.select %eq3A_691, %select_n3A_681, %select_n3A_680 : vector<8x3584xi1>, vector<8x3584xi32>
    %roll3A_696 = arith.constant 4 : i32
    %roll3A_697 = tpu.dynamic_rotate %select_n3A_692 by %roll3A_696 dim 0 : vector<8x3584xi32>, i32 -> vector<8x3584xi32>
    %max3A_698 = arith.maxsi %select_n3A_692, %roll3A_697 : vector<8x3584xi32>
    %roll3A_699 = arith.constant 2 : i32
    %roll3A_700 = tpu.dynamic_rotate %max3A_698 by %roll3A_699 dim 0 : vector<8x3584xi32>, i32 -> vector<8x3584xi32>
    %max3A_701 = arith.maxsi %max3A_698, %roll3A_700 : vector<8x3584xi32>
    %roll3A_702 = arith.constant 1 : i32
    %roll3A_703 = tpu.dynamic_rotate %max3A_701 by %roll3A_702 dim 0 : vector<8x3584xi32>, i32 -> vector<8x3584xi32>
    %max3A_704 = arith.maxsi %max3A_701, %roll3A_703 : vector<8x3584xi32>
    %eq3A_705 = arith.cmpi eq, %select_n3A_692, %max3A_704 : vector<8x3584xi32>
    %select_n3A_706 = arith.select %eq3A_705, %select_n3A_693, %select_n3A_692 : vector<8x3584xi1>, vector<8x3584xi32>
    %select_n3A_707 = arith.select %eq3A_705, %select_n3A_694, %select_n3A_693 : vector<8x3584xi1>, vector<8x3584xi32>
    %select_n3A_708 = arith.select %eq3A_705, %select_n3A_695, %select_n3A_694 : vector<8x3584xi1>, vector<8x3584xi32>
    %roll3A_709 = arith.constant 4 : i32
    %roll3A_710 = tpu.dynamic_rotate %select_n3A_706 by %roll3A_709 dim 0 : vector<8x3584xi32>, i32 -> vector<8x3584xi32>
    %max3A_711 = arith.maxsi %select_n3A_706, %roll3A_710 : vector<8x3584xi32>
    %roll3A_712 = arith.constant 2 : i32
    %roll3A_713 = tpu.dynamic_rotate %max3A_711 by %roll3A_712 dim 0 : vector<8x3584xi32>, i32 -> vector<8x3584xi32>
    %max3A_714 = arith.maxsi %max3A_711, %roll3A_713 : vector<8x3584xi32>
    %roll3A_715 = arith.constant 1 : i32
    %roll3A_716 = tpu.dynamic_rotate %max3A_714 by %roll3A_715 dim 0 : vector<8x3584xi32>, i32 -> vector<8x3584xi32>
    %max3A_717 = arith.maxsi %max3A_714, %roll3A_716 : vector<8x3584xi32>
    %eq3A_718 = arith.cmpi eq, %select_n3A_706, %max3A_717 : vector<8x3584xi32>
    %select_n3A_719 = arith.select %eq3A_718, %select_n3A_707, %select_n3A_706 : vector<8x3584xi1>, vector<8x3584xi32>
    %select_n3A_720 = arith.select %eq3A_718, %select_n3A_708, %select_n3A_707 : vector<8x3584xi1>, vector<8x3584xi32>
    %roll3A_721 = arith.constant 4 : i32
    %roll3A_722 = tpu.dynamic_rotate %select_n3A_719 by %roll3A_721 dim 0 : vector<8x3584xi32>, i32 -> vector<8x3584xi32>
    %max3A_723 = arith.maxsi %select_n3A_719, %roll3A_722 : vector<8x3584xi32>
    %roll3A_724 = arith.constant 2 : i32
    %roll3A_725 = tpu.dynamic_rotate %max3A_723 by %roll3A_724 dim 0 : vector<8x3584xi32>, i32 -> vector<8x3584xi32>
    %max3A_726 = arith.maxsi %max3A_723, %roll3A_725 : vector<8x3584xi32>
    %roll3A_727 = arith.constant 1 : i32
    %roll3A_728 = tpu.dynamic_rotate %max3A_726 by %roll3A_727 dim 0 : vector<8x3584xi32>, i32 -> vector<8x3584xi32>
    %max3A_729 = arith.maxsi %max3A_726, %roll3A_728 : vector<8x3584xi32>
    %eq3A_730 = arith.cmpi eq, %select_n3A_719, %max3A_729 : vector<8x3584xi32>
    %select_n3A_731 = arith.select %eq3A_730, %select_n3A_720, %select_n3A_719 : vector<8x3584xi1>, vector<8x3584xi32>
    %roll3A_732 = arith.constant 4 : i32
    %roll3A_733 = tpu.dynamic_rotate %select_n3A_731 by %roll3A_732 dim 0 : vector<8x3584xi32>, i32 -> vector<8x3584xi32>
    %max3A_734 = arith.maxsi %select_n3A_731, %roll3A_733 : vector<8x3584xi32>
    %roll3A_735 = arith.constant 2 : i32
    %roll3A_736 = tpu.dynamic_rotate %max3A_734 by %roll3A_735 dim 0 : vector<8x3584xi32>, i32 -> vector<8x3584xi32>
    %max3A_737 = arith.maxsi %max3A_734, %roll3A_736 : vector<8x3584xi32>
    %roll3A_738 = arith.constant 1 : i32
    %roll3A_739 = tpu.dynamic_rotate %max3A_737 by %roll3A_738 dim 0 : vector<8x3584xi32>, i32 -> vector<8x3584xi32>
    %max3A_740 = arith.maxsi %max3A_737, %roll3A_739 : vector<8x3584xi32>
    %ge3A_741 = arith.cmpi sge, %slice3A_442, %max3A_740 : vector<8x3584xi32>
    %slice3A_742 = vector.extract_strided_slice %mul3A_429 {offsets = [0, 0], sizes = [8, 3584], strides = [1, 1]} : vector<64x3584xf32> to vector<8x3584xf32>
    %jit3A_743 = arith.constant 0.000000e+00 : f32
    %broadcast_in_dim3A_744 = vector.broadcast %jit3A_743 : f32 to vector<8x3584xf32>
    %select_n3A_745 = arith.select %ge3A_741, %slice3A_742, %broadcast_in_dim3A_744 : vector<8x3584xi1>, vector<8x3584xf32>
    %ge3A_746 = arith.cmpi sge, %slice3A_443, %max3A_740 : vector<8x3584xi32>
    %slice3A_747 = vector.extract_strided_slice %mul3A_429 {offsets = [8, 0], sizes = [8, 3584], strides = [1, 1]} : vector<64x3584xf32> to vector<8x3584xf32>
    %jit3A_748 = arith.constant 0.000000e+00 : f32
    %broadcast_in_dim3A_749 = vector.broadcast %jit3A_748 : f32 to vector<8x3584xf32>
    %select_n3A_750 = arith.select %ge3A_746, %slice3A_747, %broadcast_in_dim3A_749 : vector<8x3584xi1>, vector<8x3584xf32>
    %ge3A_751 = arith.cmpi sge, %slice3A_444, %max3A_740 : vector<8x3584xi32>
    %slice3A_752 = vector.extract_strided_slice %mul3A_429 {offsets = [16, 0], sizes = [8, 3584], strides = [1, 1]} : vector<64x3584xf32> to vector<8x3584xf32>
    %jit3A_753 = arith.constant 0.000000e+00 : f32
    %broadcast_in_dim3A_754 = vector.broadcast %jit3A_753 : f32 to vector<8x3584xf32>
    %select_n3A_755 = arith.select %ge3A_751, %slice3A_752, %broadcast_in_dim3A_754 : vector<8x3584xi1>, vector<8x3584xf32>
    %ge3A_756 = arith.cmpi sge, %slice3A_445, %max3A_740 : vector<8x3584xi32>
    %slice3A_757 = vector.extract_strided_slice %mul3A_429 {offsets = [24, 0], sizes = [8, 3584], strides = [1, 1]} : vector<64x3584xf32> to vector<8x3584xf32>
    %jit3A_758 = arith.constant 0.000000e+00 : f32
    %broadcast_in_dim3A_759 = vector.broadcast %jit3A_758 : f32 to vector<8x3584xf32>
    %select_n3A_760 = arith.select %ge3A_756, %slice3A_757, %broadcast_in_dim3A_759 : vector<8x3584xi1>, vector<8x3584xf32>
    %ge3A_761 = arith.cmpi sge, %slice3A_446, %max3A_740 : vector<8x3584xi32>
    %slice3A_762 = vector.extract_strided_slice %mul3A_429 {offsets = [32, 0], sizes = [8, 3584], strides = [1, 1]} : vector<64x3584xf32> to vector<8x3584xf32>
    %jit3A_763 = arith.constant 0.000000e+00 : f32
    %broadcast_in_dim3A_764 = vector.broadcast %jit3A_763 : f32 to vector<8x3584xf32>
    %select_n3A_765 = arith.select %ge3A_761, %slice3A_762, %broadcast_in_dim3A_764 : vector<8x3584xi1>, vector<8x3584xf32>
    %ge3A_766 = arith.cmpi sge, %slice3A_447, %max3A_740 : vector<8x3584xi32>
    %slice3A_767 = vector.extract_strided_slice %mul3A_429 {offsets = [40, 0], sizes = [8, 3584], strides = [1, 1]} : vector<64x3584xf32> to vector<8x3584xf32>
    %jit3A_768 = arith.constant 0.000000e+00 : f32
    %broadcast_in_dim3A_769 = vector.broadcast %jit3A_768 : f32 to vector<8x3584xf32>
    %select_n3A_770 = arith.select %ge3A_766, %slice3A_767, %broadcast_in_dim3A_769 : vector<8x3584xi1>, vector<8x3584xf32>
    %ge3A_771 = arith.cmpi sge, %slice3A_448, %max3A_740 : vector<8x3584xi32>
    %slice3A_772 = vector.extract_strided_slice %mul3A_429 {offsets = [48, 0], sizes = [8, 3584], strides = [1, 1]} : vector<64x3584xf32> to vector<8x3584xf32>
    %jit3A_773 = arith.constant 0.000000e+00 : f32
    %broadcast_in_dim3A_774 = vector.broadcast %jit3A_773 : f32 to vector<8x3584xf32>
    %select_n3A_775 = arith.select %ge3A_771, %slice3A_772, %broadcast_in_dim3A_774 : vector<8x3584xi1>, vector<8x3584xf32>
    %ge3A_776 = arith.cmpi sge, %slice3A_449, %max3A_740 : vector<8x3584xi32>
    %slice3A_777 = vector.extract_strided_slice %mul3A_429 {offsets = [56, 0], sizes = [8, 3584], strides = [1, 1]} : vector<64x3584xf32> to vector<8x3584xf32>
    %jit3A_778 = arith.constant 0.000000e+00 : f32
    %broadcast_in_dim3A_779 = vector.broadcast %jit3A_778 : f32 to vector<8x3584xf32>
    %select_n3A_780 = arith.select %ge3A_776, %slice3A_777, %broadcast_in_dim3A_779 : vector<8x3584xi1>, vector<8x3584xf32>
    %concatenate3A_781 = tpu.concatenate %select_n3A_745, %select_n3A_750, %select_n3A_755, %select_n3A_760, %select_n3A_765, %select_n3A_770, %select_n3A_775, %select_n3A_780 in 0 : vector<8x3584xf32>, vector<8x3584xf32>, vector<8x3584xf32>, vector<8x3584xf32>, vector<8x3584xf32>, vector<8x3584xf32>, vector<8x3584xf32>, vector<8x3584xf32> -> vector<64x3584xf32>
    %swap3A_782 = arith.constant 0 : index
    %swap3A_783 = arith.constant 56 : index
    %swap3A_784 = arith.constant 0 : index
    %swap3A_785 = vector.load %arg9[%swap3A_782, %swap3A_783, %swap3A_784] : memref<1x120x3584xf32, #tpu.memory_space<vmem>>, vector<1x64x3584xf32>
    %swap3A_786 = vector.shape_cast %swap3A_785 : vector<1x64x3584xf32> to vector<64x3584xf32>
    %swap3A_787 = vector.shape_cast %concatenate3A_781 : vector<64x3584xf32> to vector<1x64x3584xf32>
    tpu.vector_store %arg9[%swap3A_782, %swap3A_783, %swap3A_784], %swap3A_787 {strides = array<i32>} : memref<1x120x3584xf32, #tpu.memory_space<vmem>>, vector<1x64x3584xf32>,
    return
  }
  func.func @transform_0(%arg0: i32, %arg1: i32) -> (i32, i32, i32) {
    %c0_i32 = arith.constant 0 : i32
    %c0_i32_0 = arith.constant 0 : i32
    return %arg0, %c0_i32, %arg1 : i32, i32, i32
  }
  func.func @transform_1(%arg0: i32, %arg1: i32) -> (i32, i32, i32) {
    %add3A = arith.constant 1 : i32
    %add3A_0 = arith.addi %arg1, %add3A : i32
    %mul3A = arith.constant 7 : i32
    %mul3A_1 = arith.muli %add3A_0, %mul3A : i32
    %min3A = arith.constant 97 : i32
    %min3A_2 = arith.minsi %mul3A_1, %min3A : i32
    %c0_i32 = arith.constant 0 : i32
    %c0_i32_3 = arith.constant 0 : i32
    return %arg0, %c0_i32, %min3A_2 : i32, i32, i32
  }
  func.func @transform_2(%arg0: i32, %arg1: i32) -> (i32, i32, i32) {
    %c0_i32 = arith.constant 0 : i32
    %c0_i32_0 = arith.constant 0 : i32
    %c0_i32_1 = arith.constant 0 : i32
    %c0_i32_2 = arith.constant 0 : i32
    return %c0_i32, %c0_i32_0, %c0_i32_1 : i32, i32, i32
  }
  func.func @transform_3(%arg0: i32, %arg1: i32) -> (i32, i32) {
    %c0_i32 = arith.constant 0 : i32
    %c0_i32_0 = arith.constant 0 : i32
    %c0_i32_1 = arith.constant 0 : i32
    return %c0_i32, %c0_i32_0 : i32, i32
  }
  func.func @transform_4(%arg0: i32, %arg1: i32) -> (i32, i32) {
    %c0_i32 = arith.constant 0 : i32
    %c0_i32_0 = arith.constant 0 : i32
    %c0_i32_1 = arith.constant 0 : i32
    return %c0_i32, %c0_i32_0 : i32, i32
  }
  func.func @transform_5(%arg0: i32, %arg1: i32) -> (i32, i32) {
    %c0_i32 = arith.constant 0 : i32
    %c0_i32_0 = arith.constant 0 : i32
    %c0_i32_1 = arith.constant 0 : i32
    return %c0_i32, %c0_i32_0 : i32, i32
  }
  func.func @transform_6(%arg0: i32, %arg1: i32) -> (i32, i32) {
    %c0_i32 = arith.constant 0 : i32
    %c0_i32_0 = arith.constant 0 : i32
    %c0_i32_1 = arith.constant 0 : i32
    return %c0_i32, %c0_i32_0 : i32, i32
  }
  func.func @transform_7(%arg0: i32, %arg1: i32) -> (i32, i32, i32) {
    %c0_i32 = arith.constant 0 : i32
    %c0_i32_0 = arith.constant 0 : i32
    return %arg0, %c0_i32, %arg1 : i32, i32, i32
  }
}

</mosaic_0001>

<sc_bundles>
// kernel: sparse-core-data-format-call.cloned.1.call-start
scs
called_computation_lowered:
.L_overlay_start_0:
0x0: {  	s2 =	sld [smem:$0x3FD9]  }
0x1: {  	s3 =	sld [smem:$0x3FFE];
	_ =	sdelay $0x1  }
0x2: {  	s1 =	srdreg.scid  }
0x3: {  	s0 =	sand.u32 $0x1, s1  }
0x4: {  	s18 =	sshll.u32 s0, $0xA;
	s2 =	sadd.s32 s3, s2  }
0x5: {  	s2 =	sadd.s32 s2, s18  }
0x6: {  	[smem:$0x3FC5] =	sst s2  }
0x7: {  	_ = 	snop  }
0x8: {  	s2 =	sld [smem:$0x3FD0];
	(tm) =	ssettm $0x1  }
0x9: {  	s19 =	sld [smem:$0x3FFB];
	_ =	sdelay $0x3  }
0xa: {  	_ =	strace s19  }
0xb: {  	s3 =	sld [smem:$0x3FFC];
	_ =	sdelay $0x3  }
0xc: {  	_ =	strace s3  }
0xd: {  	s3 =	sld [smem:$0x3FFD];
	_ =	sdelay $0x3  }
0xe: {  	_ =	strace s3  }
0xf: {  	_ =	strace $0x8FFFFFFF  }
0x10: {  	s20 =	sld [smem:$0x3FDB];
	_ =	sdelay $0x1  }
0x11: {  	s4 =	simm.s32 $_scs_section_size  }
0x12: {  	s5 =	simm.s32 $_size__tile_overlayer_lowered;
	s6 =	simm.s32 $_tile_overlayer_lowered  }
0x13: {  	s23 =	simm.s32 $0x1BFF;
	s22 =	sshll.u32 s6, $0x1;
	s3 =	sadd.s32 s4, s20  }
0x14: {  	s7 =	simm.s32 $0x0;
	s21 =	sshll.u32 s5, $0x1;
	s5 =	sadd.s32 s22, s3  }
0x15: {  	[timem:s7], [sflag:s23] =	dma.local [hbm:s5], s21  }
0x16: {  	_ =	swait.ge [sflag:s23], s21  }
0x17: {  	s4 =	ssub.s32 $0x0, s21;
	[sflag:s23] =	ssyncset.done $0x0  }
0x18: {  	[sflag:s23] =	ssyncadd.s32 s4;
	_ =	sdelay $0x1  }
0x19: {  	s24 =	simm.s32 $0x1B8B  }
0x1a: {  	_ =	swait.ge [sflag:s24], $0x1  }
0x1b: {  	[sflag:s24] =	ssyncset.done $0x0  }
0x1c: {  	s26 =	simm.s32 $0x1B8E;
	s25 =	sld [smem:$0x3FFE];
	[sflag:s24] =	ssyncadd.s32 $0xFFFFFFFF  }
0x1d: {  	s27 =	simm.s32 $execute0_lowered;
	[smem:$0x3FD2] =	sst s26  }
0x1e: {  	s5 =	sshll.u32 s27, $0x1;
	_ =	strace $0x80000046;
	[dreg:$0x1] =	wrdreg $0xFFFFFFFF  }
0x1f: {  	s28 =	simm.s32 $_size_execute0_lowered;
	s3 =	sadd.s32 s3, s5;
	[dreg:$0x0] =	wrdreg $0x0  }
0x20: {  	s5 =	sshll.u32 s28, $0x1;
	[dreg:$0x2] =	wrdreg s3  }
0x21: {  	[dreg:$0x3] =	wrdreg s5  }
0x22: {  	[dreg:$0x4] =	wrdreg $0xC0  }
0x23: {  	_ =	task [dreg:s7], $0x5FFFF  }
0x24: {  	[dreg:$0x1] =	wrdreg $0xFFFFFFFF  }
0x25: {  	[dreg:$0x0] =	wrdreg $0x60  }
0x26: {  	[dreg:$0x2] =	wrdreg s25  }
0x27: {  	[dreg:$0x3] =	wrdreg s2  }
0x28: {  	[dreg:$0x4] =	wrdreg $0x9  }
0x29: {  	_ =	task.clear_ibuf [dreg:s7], $0x5FFFF;
	_ =	strace $0x90000046  }
0x2a: {  	s29 =	simm.s32 $0x9;
	_ =	strace $0x80000048  }
0x2b: {  	_ =	swait.ge [sflag:s29], $0x1  }
0x2c: {  	[sflag:s29] =	ssyncadd.s32 $0xFFFFFFFF  }
0x2d: {  	_ =	strace $0x90000048  }
0x2e: {  	_ =	sfence  }
0x2f: {  	s30 =	sld [smem:$0x0];
	_ =	sdelay $0x2  }
0x30: {  	s31 =	sshll.u32 s1, $0xD;
	s1 =	sshrl.u32 s1, $0x2  }
0x31: {  	s3 =	sand.u32 $0x4000, s31;
	s1 =	sadd.s32 s1, s30  }
0x32: {  	s0 =	sor.u32 s3, s0;
	s1 =	sshll.u32 s1, $0x11  }
0x33: {  	s0 =	sor.u32 s1, s0  }
0x34: {  	s0 =	sadd.s32 $0x8F2B, s0  }
0x35: {  	[sflag:s0] =	ssyncadd.remote.s32 $0x1  }
0x36: {  	_ =	sfence.sel $0xFFFF  }
0x37: {  	[dreg:$0x0] =	wrdreg $0xFFFFFFFF;
	(pc) =	sbr.abs _section_cstart, $3  }
0x38: {  	[dreg:$0x1] =	wrdreg $0xFFFFFFFF  }
0x39: {  	_ =	task.clear_ibuf [dreg:s7], $0x2FFFF;
	_ =	strace $0x9FFFFFFF  }
0x3a: {  	(tm) =	ssettm $0x7FFFFFFF  }
0x3b: {  	_ =	shalt  }
tec
execute0_lowered:
.L_overlay_start_1:
0x0: {  	(tag) =	ssettag $0x1  }
0x1: {  	s6 =	rddreg [dreg:$0x0]  }
0x2: {  	s0 =	srdreg.scid;
	s2 =	rddreg [dreg:$0x1];
	s4 =	simm.s32 $0x1  }
0x3: {  	s7 =	simm.s32 $0x2;
	s8 =	simm.s32 $0x0;
	s9 =	simm.s32 $0x0  }
0x4: {  	s17 =	simm.s32 $0x0;
	s19 =	simm.s32 $0x0;
	s1 =	sshll.u32 s0, $0x4  }
0x5: {  	s18 =	simm.s32 $0x0;
	s0 =	stileid.u32;
	s1 =	sand.u32 $0x10, s1  }
0x6: {  	s10 =	simm.s32 $0x0;
	s11 =	simm.s32 $0x0;
	s3 =	sor.u32 s0, s1  }
.Ltmp0:
0x7: {  	s12 =	simm.s32 $0x0;
	s5 =	ssub.s32 $0xFD, s3;
	(pc) =	sbr.rel .LBB1_1-.Ltmp0, $4  }
0x8: {  	s13 =	simm.s32 $0x0;
	s15 =	simm.s32 $0x0;
	s5 =	sshrl.u32 s5, $0x5  }
0x9: {  	s1 =	rddreg [dreg:$0x2];
	_ =	strace $0x80000047;
	s5 =	smul.u32 $0x7, s5  }
0xa: {  	s16 =	simm.s32 $0x0;
	s6 =	sadd.s32 $0x310A00, s6;
	[sflag:s4] =	ssyncpa.u1 $0x0  }
0xb: {  	s14 =	smov.u32 s3;
	[sflag:s7] =	ssyncpa.u1 $0x0;
	s7 =	sadd.s32 $0x1, s5  }
.LBB1_7:
0xc: {  	p0 =	slt.u32 s16, $0x2  }
0xd: {  	p1 =	sgt.s32 @!p0 s19, $0xDD  }
0xe: {  	s20 =	smov.u32 s19;
	s21 =	sshra.s32 @!p0 s19, $0x1F;
	p1 =	por !p1, p0  }
0xf: {  	p2 =	sgt.s32 @!p0 s17, $0xBE;
	s19 =	sand.u32 @!p0 s21, s19;
	s20 =	simm.s32 @p1 $0xDD  }
0x10: {  	p2 =	por !p2, p0;
	s21 =	smov.u32 s17;
	s19 =	ssub.s32 @!p0 s20, s19  }
0x11: {  	s21 =	simm.s32 @p2 $0xBE;
	s20 =	sadd.s32 @!p0 $0xFFFFFF23, s19  }
0x12: {  	s19 =	ssub.s32 @!p0 $0xDE, s19;
	p1 =	sgt.s32 @!p0 s20, $0x0;
	s20 =	sshra.s32 @!p0 s17, $0x1F  }
0x13: {  	p1 =	por !p1, p0;
	s17 =	sand.u32 @!p0 s20, s17;
	s20 =	ssub.s32 @!p0 $0x0, s18  }
0x14: {  	s19 =	simm.s32 @!p1 $0x0;
	s18 =	smin.u32 @!p0 s18, s20;
	s17 =	ssub.s32 @!p0 s21, s17  }
0x15: {  	s21 =	smov.u32 s14;
	p1 =	sgt.s32 @!p0 s18, $0x3;
	s18 =	sshll.u32 @!p0 s18, $0x7  }
0x16: {  	s20 =	sadd.s32 @!p0 $0xFFFFFF42, s17;
	s18 =	ssub.s32 @!p0 $0x200, s18;
	p1 =	por !p1, p0  }
0x17: {  	s17 =	ssub.s32 @!p0 $0xDE, s17;
	p2 =	sgt.s32 @!p0 s20, $0x1F;
	s18 =	simm.s32 @!p1 $0x0  }
0x18: {  	s20 =	sadd.s32 $0x20, s13;
	p1 =	por !p2, p0;
	s18 =	smul.u32 @!p0 s19, s18  }
0x19: {  	s17 =	simm.s32 @!p1 $0x0;
	p1 =	sgt.s32 s20, $0xDD;
	s19 =	sadd.s32 $0x20, s14  }
0x1a: {  	s22 =	smov.u32 s15;
	s21 =	smov.u32 @p1 s19  }
0x1b: {  	s17 =	smul.u32 @!p0 s17, s18;
	p2 =	sgt.s32 s21, $0xDD;
	s18 =	sadd.s32 $0x4, s15  }
0x1c: {  	s9 =	sadd.s32 $0x4000, s9;
	s23 =	simm.s32 @!p0 $0x2;
	s22 =	smov.u32 @p2 s18  }
0x1d: {  	s20 =	simm.s32 @p1 $0x0;
	s19 =	smov.u32 s11;
	p1 =	sgt.s32 s22, $0x3  }
0x1e: {  	s11 =	smov.u32 s14;
	s22 =	simm.s32 @p1 $0x0;
	p1 =	sne.s32 s16, s7  }
.Ltmp1:
0x1f: {  	s21 =	smov.u32 @p2 s3;
	s18 =	smov.u32 s12;
	(pc) =	sbr.rel @!p1 .LBB1_8-.Ltmp1, $4  }
0x20: {  	s12 =	smov.u32 s15;
	s17 =	sand.u32 @!p0 $0x3FFFFF80, s17;
	s14 =	smov.u32 s21  }
0x21: {  	_ =	swait.ge @!p0 [sflag:s23], s17;
	s24 =	ssub.s32 @!p0 $0x0, s17;
	s17 =	smov.u32 s10  }
0x22: {  	s16 =	sadd.s32 $0x1, s16;
	s10 =	smov.u32 s13;
	[sflag:s23] =	ssyncset.done @!p0 $0x0  }
0x23: {  	s13 =	smov.u32 s20;
	s15 =	smov.u32 s22;
	[sflag:s23] =	ssyncadd.s32 @!p0 s24  }
.LBB1_1:
0x24: {  	p0 =	sge.u32 s16, s5  }
0x25: {  	s20 =	sand.u32 @!p0 $0x1FFFFFF, s13  }
0x26: {  	s21 =	smulhi.u32 @!p0 $0x2492493, s20  }
0x27: {  	s22 =	smul.u32 @!p0 $0xC2400, s15  }
0x28: {  	s24 =	smul.u32 @!p0 $0xE00, s14;
	s21 =	sshrl.u32 @!p0 s21, $0x1  }
0x29: {  	s21 =	smul.u32 @!p0 $0xE0, s21  }
0x2a: {  	s31 =	sadd.s32 $0xFFFFFFFF, s16;
	s22 =	sadd.s32 @!p0 s6, s22  }
0x2b: {  	s23 =	sxor.u32 @!p0 $0xFFFFFFFF, s16;
	s22 =	sadd.s32 @!p0 s24, s22;
	s20 =	ssub.s32 @!p0 s20, s21  }
0x2c: {  	s21 =	sshll.u32 @!p0 s23, $0xE;
	s23 =	simm.s32 @!p0 $0x612000;
	s20 =	sshll.u32 @!p0 s20, $0x4  }
0x2d: {  	s21 =	sand.u32 @!p0 $0x4000, s21;
	s20 =	sadd.s32 @!p0 s20, s22;
	s22 =	simm.s32 @!p0 $0x1000  }
0x2e: {  	[tilespmem:s21], [sflag:$0x1] =	stream.strided.gather @!p0 [hbm4b:s20+s22], $0x4000, s23, s22, $0x38;
	[tilespmem:$0x10000] =	vst v63  }
0x2f: {  	p0 =	sge.u32 s31, s5  }
.Ltmp2:
0x30: {  	_ = 	snop;
	(pc) =	sbr.rel @p0 .LBB1_7-.Ltmp2, $1  }
0x31: {  	_ =	sdelay $0x3  }
0x32: {  	s20 =	sand.u32 $0x4000, s9  }
0x33: {  	_ =	swait.ge [sflag:s4], $0x4000;
	s23 =	sshll.u32 s16, $0xE;
	s21 =	sor.u32 $0x8040, s20  }
0x34: {  	s22 =	sor.u32 $0x40, s20;
	[sflag:s4] =	ssyncset.done $0x0;
	s31 =	sand.u32 $0x4000, s23  }
0x35: {  	s23 =	simm.s32 $0x0;
	[sflag:s4] =	ssyncadd.s32 $0xFFFFC000;
	s20 =	sor.u32 $0x8000, s31  }
.LBB1_3:
0x36: {  	v0 =	vmov s22;
	_ =	sdelay $0x3  }
0x37: {  	s25 =	simm.s32 $0x0  }
0x38: {  	v6 =	vld.idx.msk [tilespmem:v0+s25+$0x30 ss:$0x1], $0xffff  }
0x39: {  	v7 =	vld.idx.msk [tilespmem:v0+s25+$0xFFFFFFC0 ss:$0x1], $0xffff  }
0x3a: {  	v5 =	vld.idx.msk [tilespmem:v0+s25+$0xFFFFFFD0 ss:$0x1], $0xffff  }
0x3b: {  	v4 =	vld.idx.msk [tilespmem:v0+s25+$0xFFFFFFE0 ss:$0x1], $0xffff  }
0x3c: {  	v3 =	vld.idx.msk [tilespmem:v0+s25+$0xFFFFFFF0 ss:$0x1], $0xffff  }
0x3d: {  	v1 =	vld.idx.msk [tilespmem:v0+s25+$0x0 ss:$0x1], $0xffff  }
0x3e: {  	v2 =	vld.idx.msk [tilespmem:v0+s25+$0x10 ss:$0x1], $0xffff;
	[tilespmem:s21+$0x30] =	vst v6  }
0x3f: {  	s24 =	simm.s32 $0x80;
	s26 =	simm.s32 $0x400;
	[tilespmem:s21+$0xFFFFFFC0] =	vst v7;
	v6 =	vld.idx.msk [tilespmem:v0+s25+$0x20 ss:$0x1], $0xffff;
	s25 =	smov.u32 s21  }
.LBB1_4:
0x40: {  	p0 =	sne.s32 s26, $0x3E00;
	v7 =	vld.idx.msk [tilespmem:v0+s24+$0x30 ss:$0x1], $0xffff;
	[tilespmem:s25+$0xFFFFFFD0] =	vst v5  }
0x41: {  	v8 =	vld.idx.msk [tilespmem:v0+s24+$0xFFFFFFC0 ss:$0x1], $0xffff;
	[tilespmem:s25+$0xFFFFFFE0] =	vst v4  }
0x42: {  	v5 =	vld.idx.msk [tilespmem:v0+s24+$0xFFFFFFD0 ss:$0x1], $0xffff;
	[tilespmem:s25+$0xFFFFFFF0] =	vst v3  }
.Ltmp3:
0x43: {  	v4 =	vld.idx.msk [tilespmem:v0+s24+$0xFFFFFFE0 ss:$0x1], $0xffff;
	[tilespmem:s25+$0x0] =	vst v1;
	(pc) =	sbr.rel @p0 .LBB1_4-.Ltmp3, $4  }
0x44: {  	v3 =	vld.idx.msk [tilespmem:v0+s24+$0xFFFFFFF0 ss:$0x1], $0xffff;
	[tilespmem:s25+$0x10] =	vst v2  }
0x45: {  	v1 =	vld.idx.msk [tilespmem:v0+s24+$0x0 ss:$0x1], $0xffff;
	[tilespmem:s25+$0x20] =	vst v6;
	s25 =	sadd.s32 $0x200, s25  }
0x46: {  	v2 =	vld.idx.msk [tilespmem:v0+s24+$0x10 ss:$0x1], $0xffff;
	[tilespmem:s25+$0x30] =	vst v7  }
0x47: {  	[tilespmem:s25+$0xFFFFFFC0] =	vst v8;
	v6 =	vld.idx.msk [tilespmem:v0+s24+$0x20 ss:$0x1], $0xffff;
	s24 =	sshra.s32 s26, $0x2;
	s26 =	sadd.s32 $0x200, s26  }
0x48: {  	_ =	sdelay $0x2  }
0x49: {  	[tilespmem:s25+$0xFFFFFFD0] =	vst v5  }
0x4a: {  	v56 =	vld.idx.msk [tilespmem:v0+s24+$0x30 ss:$0x1], $0xffff;
	[tilespmem:s25+$0xFFFFFFE0] =	vst v4  }
0x4b: {  	v57 =	vld.idx.msk [tilespmem:v0+s24+$0xFFFFFFC0 ss:$0x1], $0xffff;
	[tilespmem:s25+$0xFFFFFFF0] =	vst v3  }
0x4c: {  	v58 =	vld.idx.msk [tilespmem:v0+s24+$0xFFFFFFD0 ss:$0x1], $0xffff;
	[tilespmem:s25+$0x0] =	vst v1  }
0x4d: {  	v59 =	vld.idx.msk [tilespmem:v0+s24+$0xFFFFFFE0 ss:$0x1], $0xffff;
	[tilespmem:s25+$0x10] =	vst v2  }
0x4e: {  	v60 =	vld.idx.msk [tilespmem:v0+s24+$0xFFFFFFF0 ss:$0x1], $0xffff;
	s31 =	sadd.s32 $0x200, s25;
	[tilespmem:s25+$0x20] =	vst v6  }
0x4f: {  	v61 =	vld.idx.msk [tilespmem:v0+s24+$0x0 ss:$0x1], $0xffff;
	[tilespmem:s31+$0x30] =	vst v56  }
0x50: {  	v62 =	vld.idx.msk [tilespmem:v0+s24+$0x10 ss:$0x1], $0xffff;
	s23 =	sadd.s32 $0x1, s23;
	[tilespmem:s31+$0xFFFFFFC0] =	vst v57  }
0x51: {  	v63 =	vld.idx.msk [tilespmem:v0+s24+$0x20 ss:$0x1], $0xffff;
	p0 =	sne.s32 s23, $0x4;
	[tilespmem:s31+$0xFFFFFFD0] =	vst v58  }
.Ltmp4:
0x52: {  	[tilespmem:s31+$0xFFFFFFE0] =	vst v59;
	(pc) =	sbr.rel @p0 .LBB1_3-.Ltmp4, $4  }
0x53: {  	[tilespmem:s31+$0xFFFFFFF0] =	vst v60  }
0x54: {  	[tilespmem:s31+$0x0] =	vst v61  }
0x55: {  	[tilespmem:s31+$0x10] =	vst v62  }
0x56: {  	s21 =	sadd.s32 $0x80, s21;
	s22 =	sadd.s32 $0x1000, s22;
	[tilespmem:s31+$0x20] =	vst v63  }
0x57: {  	p0 =	sgt.s32 s11, $0xDD;
	s21 =	smov.u32 s11;
	s22 =	sshra.s32 s11, $0x1F  }
0x58: {  	s23 =	smov.u32 s10;
	s24 =	ssub.s32 $0x0, s12;
	s27 =	sshra.s32 s10, $0x1F  }
0x59: {  	s28 =	smul.u32 $0x3780, s11;
	s21 =	simm.s32 @!p0 $0xDD;
	s22 =	sand.u32 s22, s11  }
0x5a: {  	p0 =	sgt.s32 s10, $0xBE;
	s26 =	smin.u32 s12, s24;
	s21 =	ssub.s32 s21, s22  }
0x5b: {  	s24 =	sand.u32 s27, s10;
	s23 =	simm.s32 @!p0 $0xBE;
	s22 =	sadd.s32 $0xFFFFFF23, s21  }
0x5c: {  	p0 =	sgt.s32 s26, $0x3;
	p1 =	sgt.s32 s22, $0x0;
	s22 =	sshll.u32 s26, $0x7  }
0x5d: {  	s21 =	ssub.s32 $0xDE, s21;
	s23 =	ssub.s32 s23, s24;
	s22 =	ssub.s32 $0x200, s22  }
0x5e: {  	s24 =	sadd.s32 $0xFFFFFF42, s23;
	s21 =	simm.s32 @p1 $0x0;
	s22 =	simm.s32 @p0 $0x0  }
0x5f: {  	p0 =	sgt.s32 s24, $0x1F;
	s21 =	smul.u32 s21, s22;
	s22 =	ssub.s32 $0xDE, s23  }
.Ltmp5:
0x60: {  	s29 =	sshll.u32 s12, $0x4;
	s22 =	simm.s32 @p0 $0x0;
	(pc) =	sbr.rel .LBB1_7-.Ltmp5, $4  }
0x61: {  	s30 =	sand.u32 $0x30, s29;
	s23 =	sadd.s32 s2, s28;
	s21 =	smul.u32 s22, s21  }
0x62: {  	s31 =	sshll.u32 s10, $0x6;
	s22 =	sadd.s32 s30, s23  }
0x63: {  	s22 =	sadd.s32 s31, s22;
	s21 =	sand.u32 $0x3FFFFF80, s21  }
0x64: {  	[hbm4b:s22+s8] =	stream.linear.scatter [tilespmem:s20], [sflag:$0x2], s21, $0x38;
	[tilespmem:$0x10000] =	vst v63  }
.LBB1_8:
0x65: {  	_ =	sfence.sel $0x180000  }
0x66: {  	s2 =	simm.s32 $0x1;
	[bflag:$0x0] =	sbarrier.arrive $0xFFFF  }
0x67: {  	s31 =	simm.s32 $0x2;
	[sflag:s2] =	ssyncpa.u1 $0x1  }
0x68: {  	[sflag:s31] =	ssyncpa.u1 $0x1  }
0x69: {  	p0 =	sne.s32 s0, $0x0;
	_ =	strace $0x90000047  }
0x6a: {  	s0 =	sadd.s32 @!p0 $0x100000, s1;
	[bflag:$0x2] =	sbarrier.arrive $0xFFFF  }
0x6b: {  	[sflag:s0] =	ssyncadd.tile.s32 @!p0 $0x1;
	_ =	shalt  }
.Lfunc_end1:
_tile_overlayer_lowered:
.L_overlay_start_2:
0x6c: {  	(tag) =	ssettag $0x2  }
0x6d: {  	s0 =	rddreg [dreg:$0x0];
	s2 =	stileid.u32  }
0x6e: {  	s1 =	rddreg [dreg:$0x1];
	p0 =	sne.s32 s2, $0x0  }
0x6f: {  	s3 =	rddreg [dreg:$0x2];
	[bflag:$0x3] =	sbarrier.arrive $0xFFFF;
	s2 =	simm.s32 @!p0 $0x1C01  }
0x70: {  	[timem:s3], [sflag:s2] =	dma.local @!p0 [hbm:s0], s1  }
0x71: {  	s0 =	simm.s32 @!p0 $0x1  }
0x72: {  	_ =	swait.ge @!p0 [sflag:s0], s1  }
0x73: {  	s1 =	ssub.s32 @!p0 $0x0, s1;
	[sflag:s0] =	ssyncset.done @!p0 $0x0  }
0x74: {  	[sflag:s0] =	ssyncadd.s32 @!p0 s1  }
0x75: {  	[bflag:$0x3] =	sbarrier.arrive $0xFFFF  }
0x76: {  	_ =	shalt  }

</sc_bundles>
